<compile_context>
chip_gen: v7x
topology: tpu7x:2x2x1
jax: 0.10.2.dev20260603
libtpu: 0.0.44.dev20260713+nightly
codegen_flags: <defaults>
</compile_context>

<pallas_src>
import jax
import jax.numpy as jnp
from jax import lax
from jax.experimental import pallas as pl
from jax.experimental.pallas import tpu as pltpu
from jax.experimental.pallas import tpu_sc as plsc

_FILTER = 9
_ALPHA = 20
_PEP_LEN = 15
_NUM_POCKET = 34
_OUT = _FILTER + _ALPHA - 1
_L = 16
_PAD = _FILTER - 1
_NPAIR = _NUM_POCKET // 2

_POC_OFF = _PEP_LEN * _ALPHA + _L + 4
_KER_OFF = _POC_OFF + 48
_BUF = _KER_OFF + _ALPHA * _FILTER + 12


def _body(buf_hbm, out_hbm, buf_v, xpad_v, row2_v, sem):
  wid = lax.axis_index("s")

  pltpu.async_copy(buf_hbm, buf_v, sem).wait()

  zeros = jnp.zeros((_L,), jnp.float32)
  lane = lax.iota(jnp.int32, _L)

  def do_pair(k, carry):
    pair = wid + 16 * k
    for q in range(2):
      pocket = 2 * pair + q
      j1 = lax.rem(pocket, _PEP_LEN)
      j2 = lax.rem(pocket + 7, _PEP_LEN)
      o1 = j1 * _ALPHA
      o2 = j2 * _ALPHA
      a = buf_v[pl.ds(o1, _L)] + buf_v[pl.ds(o2, _L)]
      b = buf_v[pl.ds(o1 + _L, _L)] + buf_v[pl.ds(o2 + _L, _L)]
      b = jnp.where(lane < _ALPHA - _L, b, 0.0)
      xpad_v[pl.ds(0, _L)] = zeros
      xpad_v[pl.ds(_PAD, _L)] = a
      xpad_v[pl.ds(_PAD + _L, _L)] = b
      pid_f = plsc.load_gather(buf_v, [jnp.broadcast_to(_POC_OFF + pocket, (_L,))])
      pid = pid_f.astype(jnp.int32)
      acc0 = zeros
      acc1 = zeros
      for t in range(_FILTER):
        tap = plsc.load_gather(buf_v, [pid * _FILTER + (_KER_OFF + t)])
        acc0 = acc0 + tap * xpad_v[pl.ds(_PAD - t, _L)]
        acc1 = acc1 + tap * xpad_v[pl.ds(_PAD + _L - t, _L)]
      base = q * _OUT
      row2_v[pl.ds(base, _L)] = acc0
      row2_v[pl.ds(base + _L, _L)] = acc1
    pltpu.sync_copy(row2_v.at[pl.ds(0, 2 * _OUT)],
                    out_hbm.at[pl.ds(2 * _OUT * pair, 2 * _OUT)])
    return carry

  n_iters = 1 + (wid == 0).astype(jnp.int32)
  lax.fori_loop(0, n_iters, do_pair, 0)


@jax.jit
def kernel(peptide_encoding, pocket_encoding, kernels):
  poc_f = jnp.pad(pocket_encoding, (0, 48 - _NUM_POCKET)).astype(jnp.float32)
  buf = jnp.concatenate([
      peptide_encoding.reshape(-1),
      jnp.zeros((_L + 4,), jnp.float32),
      poc_f,
      kernels.reshape(-1),
      jnp.zeros((12,), jnp.float32),
  ])

  out = pl.kernel(
      _body,
      out_type=jax.ShapeDtypeStruct((_NUM_POCKET * _OUT,), jnp.float32),
      mesh=plsc.VectorSubcoreMesh(
          core_axis_name="c", subcore_axis_name="s", num_cores=1),
      compiler_params=pltpu.CompilerParams(needs_layout_passes=False),
      scratch_types=[
          pltpu.VMEM((_BUF,), jnp.float32),
          pltpu.VMEM((_ALPHA + 2 * _PAD + 4,), jnp.float32),
          pltpu.VMEM((4 * _L,), jnp.float32),
          pltpu.SemaphoreType.DMA,
      ],
  )(buf)
  return out.reshape(_NUM_POCKET, _OUT)

# --- scband reference (transcript-rebuilt; emitter-appended) ---
"""Pipeline reference for scband-peptide-pocket-conv-layer-11072425689946 (READ-ONLY COPY).

The authoritative reference and input builder live on the scoring server;
editing this copy changes nothing except your own understanding.
"""

import jax, jax.numpy as jnp
import numpy as np

FILTER_SIZE = 9
ALPHABET_SIZE = 20
MAX_PEP_LEN = 15
NUM_POCKET = 34
# peptide_length -> {pocket_index -> list of peptide positions}
PEPTIDE_MAP = {15: {i: [i % 15, (i + 7) % 15] for i in range(NUM_POCKET)}}


def setup_inputs(seed: int = 0) -> dict:
    key = jax.random.key(seed)
    k1, k2, k3 = jax.random.split(key, 3)
    peptide_encoding = jax.random.uniform(k1, (MAX_PEP_LEN, ALPHABET_SIZE), dtype=jnp.float32)
    pocket_encoding = jax.random.randint(k2, (NUM_POCKET,), 0, ALPHABET_SIZE, dtype=jnp.int32)
    # learned parameters: one length-FILTER_SIZE filter per alphabet symbol
    kernels = jax.random.uniform(k3, (ALPHABET_SIZE, FILTER_SIZE), minval=-0.05, maxval=0.05, dtype=jnp.float32)
    return {"peptide_encoding": peptide_encoding, "pocket_encoding": pocket_encoding, "kernels": kernels}


def reference(peptide_encoding, pocket_encoding, kernels):
    # peptide length equals the number of leading non-zero rows; for every valid
    # input (all rows non-zero, as setup_inputs always produces) this equals the
    # static row count of peptide_encoding, derivable from its shape.
    peptide_length = peptide_encoding.shape[0]
    mapping = PEPTIDE_MAP[peptide_length]
    out_size = FILTER_SIZE + ALPHABET_SIZE - 1
    # gather: per-pocket filter selected by pocket residue id
    filters = jnp.take(kernels, pocket_encoding, axis=0)  # [NUM_POCKET, FILTER_SIZE]
    outputs = []
    for i in range(NUM_POCKET):
        if i in mapping:
            total = jnp.zeros((out_size,), dtype=jnp.float32)
            for j in mapping[i]:
                # full convolution of the peptide position row with the pocket's filter,
                # segment-summed over all peptide positions contacting pocket i
                total = total + jnp.convolve(peptide_encoding[j], filters[i])
            outputs.append(total)
        else:
            outputs.append(jnp.zeros((out_size,), dtype=jnp.float32))
    return jnp.stack(outputs)  # [NUM_POCKET, out_size]

if __name__ == "__main__":
    import jax
    _d = setup_inputs()
    print(jax.jit(kernel)(*tuple(_d.values())))

</pallas_src>

<mosaic_0001>
#map = affine_map<(d0, d1) -> (0)>
module attributes {stable_mosaic.version = 14 : i64} {
  func.func @_body(%arg0: i32, %arg1: i32, %arg2: memref<560xf32, #tpu.memory_space<hbm>>, %arg3: memref<952xf32, #tpu.memory_space<hbm>>, %arg4: memref<560xf32, #tpu.memory_space<vmem>>, %arg5: memref<40xf32, #tpu.memory_space<vmem>>, %arg6: memref<64xf32, #tpu.memory_space<vmem>>, %arg7: memref<!tpu.dma_semaphore, #tpu.memory_space<semaphore_mem>>) attributes {dimension_semantics = [#tpu.dimension_semantics<core_parallel>, #tpu.dimension_semantics<subcore_parallel>], iteration_bounds = array<i64: 1, 16>, scalar_prefetch = 0 : i64, scratch_operands = 4 : i64, tpu.core_type = #tpu.core_type<sc_vector_subcore>, window_params = [{transform_indices = #map}, {transform_indices = #map}]} {
    tpu.enqueue_dma source(%arg2 : memref<560xf32, #tpu.memory_space<hbm>>) target(%arg4 : memref<560xf32, #tpu.memory_space<vmem>>) target_semaphore(%arg7 : memref<!tpu.dma_semaphore, #tpu.memory_space<semaphore_mem>>)
    tpu.wait_dma2 semaphore(%arg7 : memref<!tpu.dma_semaphore, #tpu.memory_space<semaphore_mem>>) src(%arg2 : memref<560xf32, #tpu.memory_space<hbm>>) dst(%arg4 : memref<560xf32, #tpu.memory_space<vmem>>)
    %broadcast_in_dim3A = arith.constant 0.000000e+00 : f32
    %broadcast_in_dim3A_0 = vector.broadcast %broadcast_in_dim3A : f32 to vector<16xf32>
    %iota3A = tpu.iota {dimensions = array<i32: 0>} : vector<16xi32>
    %eq3A = arith.constant 0 : i32
    %eq3A_1 = arith.cmpi eq, %arg1, %eq3A : i32
    %convert_element_type3A = arith.extui %eq3A_1 : i1 to i32
    %add3A = arith.constant 1 : i32
    %add3A_2 = arith.addi %add3A, %convert_element_type3A : i32
    %while3A = arith.constant 0 : i32
    %while3A_3 = arith.constant 0 : i32
    %while3A_4 = arith.subi %add3A_2, %while3A_3 : i32
    %while3A_5 = arith.addi %while3A_3, %while3A_4 : i32
    %while3A_6 = arith.constant 1 : i32
    %while3A_7 = arith.divsi %while3A_4, %while3A_6 : i32
    %while3A_8 = arith.muli %while3A_7, %while3A_6 : i32
    %while3A_9 = arith.addi %while3A_3, %while3A_8 : i32
    %while3A_10 = arith.constant 1 : i32
    scf.for %while3A_12 = %while3A_3 to %while3A_9 step %while3A_10  : i32 {
      %mul3A = arith.constant 16 : i32
      %mul3A_13 = arith.muli %mul3A, %while3A_12 : i32
      %add3A_14 = arith.addi %arg1, %mul3A_13 : i32
      %mul3A_15 = arith.constant 2 : i32
      %mul3A_16 = arith.muli %mul3A_15, %add3A_14 : i32
      %add3A_17 = arith.constant 0 : i32
      %add3A_18 = arith.addi %mul3A_16, %add3A_17 : i32
      %rem3A = arith.constant 15 : i32
      %rem3A_19 = arith.remsi %add3A_18, %rem3A : i32
      %add3A_20 = arith.constant 7 : i32
      %add3A_21 = arith.addi %add3A_18, %add3A_20 : i32
      %rem3A_22 = arith.constant 15 : i32
      %rem3A_23 = arith.remsi %add3A_21, %rem3A_22 : i32
      %mul3A_24 = arith.constant 20 : i32
      %mul3A_25 = arith.muli %rem3A_19, %mul3A_24 : i32
      %mul3A_26 = arith.constant 20 : i32
      %mul3A_27 = arith.muli %rem3A_23, %mul3A_26 : i32
      %get3A = arith.index_cast %mul3A_25 : i32 to index
      %get3A_28 = tpu.vector_load %arg4[%get3A] {strides = array<i32>} : memref<560xf32, #tpu.memory_space<vmem>>, vector<16xf32>,
      %get3A_29 = arith.index_cast %mul3A_27 : i32 to index
      %get3A_30 = tpu.vector_load %arg4[%get3A_29] {strides = array<i32>} : memref<560xf32, #tpu.memory_space<vmem>>, vector<16xf32>,
      %add3A_31 = arith.addf %get3A_28, %get3A_30 : vector<16xf32>
      %add3A_32 = arith.constant 16 : i32
      %add3A_33 = arith.addi %mul3A_25, %add3A_32 : i32
      %get3A_34 = arith.index_cast %add3A_33 : i32 to index
      %get3A_35 = tpu.vector_load %arg4[%get3A_34] {strides = array<i32>} : memref<560xf32, #tpu.memory_space<vmem>>, vector<16xf32>,
      %add3A_36 = arith.constant 16 : i32
      %add3A_37 = arith.addi %mul3A_27, %add3A_36 : i32
      %get3A_38 = arith.index_cast %add3A_37 : i32 to index
      %get3A_39 = tpu.vector_load %arg4[%get3A_38] {strides = array<i32>} : memref<560xf32, #tpu.memory_space<vmem>>, vector<16xf32>,
      %add3A_40 = arith.addf %get3A_35, %get3A_39 : vector<16xf32>
      %lt3A = arith.constant 4 : i32
      %lt3A_41 = vector.broadcast %lt3A : i32 to vector<16xi32>
      %lt3A_42 = arith.cmpi slt, %iota3A, %lt3A_41 : vector<16xi32>
      %jit3A = arith.constant 0.000000e+00 : f32
      %broadcast_in_dim3A_43 = vector.broadcast %jit3A : f32 to vector<16xf32>
      %select_n3A = arith.select %lt3A_42, %add3A_40, %broadcast_in_dim3A_43 : vector<16xi1>, vector<16xf32>
      %swap3A = arith.constant 0 : index
      %swap3A_44 = tpu.vector_load %arg5[%swap3A] {strides = array<i32>} : memref<40xf32, #tpu.memory_space<vmem>>, vector<16xf32>,
      tpu.vector_store %arg5[%swap3A], %broadcast_in_dim3A_0 {strides = array<i32>} : memref<40xf32, #tpu.memory_space<vmem>>, vector<16xf32>,
      %swap3A_45 = arith.constant 8 : index
      %swap3A_46 = tpu.vector_load %arg5[%swap3A_45] {strides = array<i32>} : memref<40xf32, #tpu.memory_space<vmem>>, vector<16xf32>,
      tpu.vector_store %arg5[%swap3A_45], %add3A_31 {strides = array<i32>} : memref<40xf32, #tpu.memory_space<vmem>>, vector<16xf32>,
      %swap3A_47 = arith.constant 24 : index
      %swap3A_48 = tpu.vector_load %arg5[%swap3A_47] {strides = array<i32>} : memref<40xf32, #tpu.memory_space<vmem>>, vector<16xf32>,
      tpu.vector_store %arg5[%swap3A_47], %select_n3A {strides = array<i32>} : memref<40xf32, #tpu.memory_space<vmem>>, vector<16xf32>,
      %add3A_49 = arith.constant 320 : i32
      %add3A_50 = arith.addi %add3A_49, %add3A_18 : i32
      %broadcast_in_dim3A_51 = vector.broadcast %add3A_50 : i32 to vector<16xi32>
      %gather3A = tpu.vector_load_idx %arg4[%broadcast_in_dim3A_51] : memref<560xf32, #tpu.memory_space<vmem>>[vector<16xi32>], vector<16xf32>,
      %convert_element_type3A_52 = arith.fptosi %gather3A : vector<16xf32> to vector<16xi32>
      %mul3A_53 = arith.constant 9 : i32
      %mul3A_54 = vector.broadcast %mul3A_53 : i32 to vector<16xi32>
      %mul3A_55 = arith.muli %convert_element_type3A_52, %mul3A_54 : vector<16xi32>
      %add3A_56 = arith.constant 368 : i32
      %add3A_57 = vector.broadcast %add3A_56 : i32 to vector<16xi32>
      %add3A_58 = arith.addi %mul3A_55, %add3A_57 : vector<16xi32>
      %gather3A_59 = tpu.vector_load_idx %arg4[%add3A_58] : memref<560xf32, #tpu.memory_space<vmem>>[vector<16xi32>], vector<16xf32>,
      %get3A_60 = arith.constant 8 : index
      %get3A_61 = tpu.vector_load %arg5[%get3A_60] {strides = array<i32>} : memref<40xf32, #tpu.memory_space<vmem>>, vector<16xf32>,
      %mul3A_62 = arith.mulf %gather3A_59, %get3A_61 : vector<16xf32>
      %add3A_63 = arith.addf %broadcast_in_dim3A_0, %mul3A_62 : vector<16xf32>
      %get3A_64 = arith.constant 24 : index
      %get3A_65 = tpu.vector_load %arg5[%get3A_64] {strides = array<i32>} : memref<40xf32, #tpu.memory_space<vmem>>, vector<16xf32>,
      %mul3A_66 = arith.mulf %gather3A_59, %get3A_65 : vector<16xf32>
      %add3A_67 = arith.addf %broadcast_in_dim3A_0, %mul3A_66 : vector<16xf32>
      %mul3A_68 = arith.constant 9 : i32
      %mul3A_69 = vector.broadcast %mul3A_68 : i32 to vector<16xi32>
      %mul3A_70 = arith.muli %convert_element_type3A_52, %mul3A_69 : vector<16xi32>
      %add3A_71 = arith.constant 369 : i32
      %add3A_72 = vector.broadcast %add3A_71 : i32 to vector<16xi32>
      %add3A_73 = arith.addi %mul3A_70, %add3A_72 : vector<16xi32>
      %gather3A_74 = tpu.vector_load_idx %arg4[%add3A_73] : memref<560xf32, #tpu.memory_space<vmem>>[vector<16xi32>], vector<16xf32>,
      %get3A_75 = arith.constant 7 : index
      %get3A_76 = tpu.vector_load %arg5[%get3A_75] {strides = array<i32>} : memref<40xf32, #tpu.memory_space<vmem>>, vector<16xf32>,
      %mul3A_77 = arith.mulf %gather3A_74, %get3A_76 : vector<16xf32>
      %add3A_78 = arith.addf %add3A_63, %mul3A_77 : vector<16xf32>
      %get3A_79 = arith.constant 23 : index
      %get3A_80 = tpu.vector_load %arg5[%get3A_79] {strides = array<i32>} : memref<40xf32, #tpu.memory_space<vmem>>, vector<16xf32>,
      %mul3A_81 = arith.mulf %gather3A_74, %get3A_80 : vector<16xf32>
      %add3A_82 = arith.addf %add3A_67, %mul3A_81 : vector<16xf32>
      %mul3A_83 = arith.constant 9 : i32
      %mul3A_84 = vector.broadcast %mul3A_83 : i32 to vector<16xi32>
      %mul3A_85 = arith.muli %convert_element_type3A_52, %mul3A_84 : vector<16xi32>
      %add3A_86 = arith.constant 370 : i32
      %add3A_87 = vector.broadcast %add3A_86 : i32 to vector<16xi32>
      %add3A_88 = arith.addi %mul3A_85, %add3A_87 : vector<16xi32>
      %gather3A_89 = tpu.vector_load_idx %arg4[%add3A_88] : memref<560xf32, #tpu.memory_space<vmem>>[vector<16xi32>], vector<16xf32>,
      %get3A_90 = arith.constant 6 : index
      %get3A_91 = tpu.vector_load %arg5[%get3A_90] {strides = array<i32>} : memref<40xf32, #tpu.memory_space<vmem>>, vector<16xf32>,
      %mul3A_92 = arith.mulf %gather3A_89, %get3A_91 : vector<16xf32>
      %add3A_93 = arith.addf %add3A_78, %mul3A_92 : vector<16xf32>
      %get3A_94 = arith.constant 22 : index
      %get3A_95 = tpu.vector_load %arg5[%get3A_94] {strides = array<i32>} : memref<40xf32, #tpu.memory_space<vmem>>, vector<16xf32>,
      %mul3A_96 = arith.mulf %gather3A_89, %get3A_95 : vector<16xf32>
      %add3A_97 = arith.addf %add3A_82, %mul3A_96 : vector<16xf32>
      %mul3A_98 = arith.constant 9 : i32
      %mul3A_99 = vector.broadcast %mul3A_98 : i32 to vector<16xi32>
      %mul3A_100 = arith.muli %convert_element_type3A_52, %mul3A_99 : vector<16xi32>
      %add3A_101 = arith.constant 371 : i32
      %add3A_102 = vector.broadcast %add3A_101 : i32 to vector<16xi32>
      %add3A_103 = arith.addi %mul3A_100, %add3A_102 : vector<16xi32>
      %gather3A_104 = tpu.vector_load_idx %arg4[%add3A_103] : memref<560xf32, #tpu.memory_space<vmem>>[vector<16xi32>], vector<16xf32>,
      %get3A_105 = arith.constant 5 : index
      %get3A_106 = tpu.vector_load %arg5[%get3A_105] {strides = array<i32>} : memref<40xf32, #tpu.memory_space<vmem>>, vector<16xf32>,
      %mul3A_107 = arith.mulf %gather3A_104, %get3A_106 : vector<16xf32>
      %add3A_108 = arith.addf %add3A_93, %mul3A_107 : vector<16xf32>
      %get3A_109 = arith.constant 21 : index
      %get3A_110 = tpu.vector_load %arg5[%get3A_109] {strides = array<i32>} : memref<40xf32, #tpu.memory_space<vmem>>, vector<16xf32>,
      %mul3A_111 = arith.mulf %gather3A_104, %get3A_110 : vector<16xf32>
      %add3A_112 = arith.addf %add3A_97, %mul3A_111 : vector<16xf32>
      %mul3A_113 = arith.constant 9 : i32
      %mul3A_114 = vector.broadcast %mul3A_113 : i32 to vector<16xi32>
      %mul3A_115 = arith.muli %convert_element_type3A_52, %mul3A_114 : vector<16xi32>
      %add3A_116 = arith.constant 372 : i32
      %add3A_117 = vector.broadcast %add3A_116 : i32 to vector<16xi32>
      %add3A_118 = arith.addi %mul3A_115, %add3A_117 : vector<16xi32>
      %gather3A_119 = tpu.vector_load_idx %arg4[%add3A_118] : memref<560xf32, #tpu.memory_space<vmem>>[vector<16xi32>], vector<16xf32>,
      %get3A_120 = arith.constant 4 : index
      %get3A_121 = tpu.vector_load %arg5[%get3A_120] {strides = array<i32>} : memref<40xf32, #tpu.memory_space<vmem>>, vector<16xf32>,
      %mul3A_122 = arith.mulf %gather3A_119, %get3A_121 : vector<16xf32>
      %add3A_123 = arith.addf %add3A_108, %mul3A_122 : vector<16xf32>
      %get3A_124 = arith.constant 20 : index
      %get3A_125 = tpu.vector_load %arg5[%get3A_124] {strides = array<i32>} : memref<40xf32, #tpu.memory_space<vmem>>, vector<16xf32>,
      %mul3A_126 = arith.mulf %gather3A_119, %get3A_125 : vector<16xf32>
      %add3A_127 = arith.addf %add3A_112, %mul3A_126 : vector<16xf32>
      %mul3A_128 = arith.constant 9 : i32
      %mul3A_129 = vector.broadcast %mul3A_128 : i32 to vector<16xi32>
      %mul3A_130 = arith.muli %convert_element_type3A_52, %mul3A_129 : vector<16xi32>
      %add3A_131 = arith.constant 373 : i32
      %add3A_132 = vector.broadcast %add3A_131 : i32 to vector<16xi32>
      %add3A_133 = arith.addi %mul3A_130, %add3A_132 : vector<16xi32>
      %gather3A_134 = tpu.vector_load_idx %arg4[%add3A_133] : memref<560xf32, #tpu.memory_space<vmem>>[vector<16xi32>], vector<16xf32>,
      %get3A_135 = arith.constant 3 : index
      %get3A_136 = tpu.vector_load %arg5[%get3A_135] {strides = array<i32>} : memref<40xf32, #tpu.memory_space<vmem>>, vector<16xf32>,
      %mul3A_137 = arith.mulf %gather3A_134, %get3A_136 : vector<16xf32>
      %add3A_138 = arith.addf %add3A_123, %mul3A_137 : vector<16xf32>
      %get3A_139 = arith.constant 19 : index
      %get3A_140 = tpu.vector_load %arg5[%get3A_139] {strides = array<i32>} : memref<40xf32, #tpu.memory_space<vmem>>, vector<16xf32>,
      %mul3A_141 = arith.mulf %gather3A_134, %get3A_140 : vector<16xf32>
      %add3A_142 = arith.addf %add3A_127, %mul3A_141 : vector<16xf32>
      %mul3A_143 = arith.constant 9 : i32
      %mul3A_144 = vector.broadcast %mul3A_143 : i32 to vector<16xi32>
      %mul3A_145 = arith.muli %convert_element_type3A_52, %mul3A_144 : vector<16xi32>
      %add3A_146 = arith.constant 374 : i32
      %add3A_147 = vector.broadcast %add3A_146 : i32 to vector<16xi32>
      %add3A_148 = arith.addi %mul3A_145, %add3A_147 : vector<16xi32>
      %gather3A_149 = tpu.vector_load_idx %arg4[%add3A_148] : memref<560xf32, #tpu.memory_space<vmem>>[vector<16xi32>], vector<16xf32>,
      %get3A_150 = arith.constant 2 : index
      %get3A_151 = tpu.vector_load %arg5[%get3A_150] {strides = array<i32>} : memref<40xf32, #tpu.memory_space<vmem>>, vector<16xf32>,
      %mul3A_152 = arith.mulf %gather3A_149, %get3A_151 : vector<16xf32>
      %add3A_153 = arith.addf %add3A_138, %mul3A_152 : vector<16xf32>
      %get3A_154 = arith.constant 18 : index
      %get3A_155 = tpu.vector_load %arg5[%get3A_154] {strides = array<i32>} : memref<40xf32, #tpu.memory_space<vmem>>, vector<16xf32>,
      %mul3A_156 = arith.mulf %gather3A_149, %get3A_155 : vector<16xf32>
      %add3A_157 = arith.addf %add3A_142, %mul3A_156 : vector<16xf32>
      %mul3A_158 = arith.constant 9 : i32
      %mul3A_159 = vector.broadcast %mul3A_158 : i32 to vector<16xi32>
      %mul3A_160 = arith.muli %convert_element_type3A_52, %mul3A_159 : vector<16xi32>
      %add3A_161 = arith.constant 375 : i32
      %add3A_162 = vector.broadcast %add3A_161 : i32 to vector<16xi32>
      %add3A_163 = arith.addi %mul3A_160, %add3A_162 : vector<16xi32>
      %gather3A_164 = tpu.vector_load_idx %arg4[%add3A_163] : memref<560xf32, #tpu.memory_space<vmem>>[vector<16xi32>], vector<16xf32>,
      %get3A_165 = arith.constant 1 : index
      %get3A_166 = tpu.vector_load %arg5[%get3A_165] {strides = array<i32>} : memref<40xf32, #tpu.memory_space<vmem>>, vector<16xf32>,
      %mul3A_167 = arith.mulf %gather3A_164, %get3A_166 : vector<16xf32>
      %add3A_168 = arith.addf %add3A_153, %mul3A_167 : vector<16xf32>
      %get3A_169 = arith.constant 17 : index
      %get3A_170 = tpu.vector_load %arg5[%get3A_169] {strides = array<i32>} : memref<40xf32, #tpu.memory_space<vmem>>, vector<16xf32>,
      %mul3A_171 = arith.mulf %gather3A_164, %get3A_170 : vector<16xf32>
      %add3A_172 = arith.addf %add3A_157, %mul3A_171 : vector<16xf32>
      %mul3A_173 = arith.constant 9 : i32
      %mul3A_174 = vector.broadcast %mul3A_173 : i32 to vector<16xi32>
      %mul3A_175 = arith.muli %convert_element_type3A_52, %mul3A_174 : vector<16xi32>
      %add3A_176 = arith.constant 376 : i32
      %add3A_177 = vector.broadcast %add3A_176 : i32 to vector<16xi32>
      %add3A_178 = arith.addi %mul3A_175, %add3A_177 : vector<16xi32>
      %gather3A_179 = tpu.vector_load_idx %arg4[%add3A_178] : memref<560xf32, #tpu.memory_space<vmem>>[vector<16xi32>], vector<16xf32>,
      %get3A_180 = arith.constant 0 : index
      %get3A_181 = tpu.vector_load %arg5[%get3A_180] {strides = array<i32>} : memref<40xf32, #tpu.memory_space<vmem>>, vector<16xf32>,
      %mul3A_182 = arith.mulf %gather3A_179, %get3A_181 : vector<16xf32>
      %add3A_183 = arith.addf %add3A_168, %mul3A_182 : vector<16xf32>
      %get3A_184 = arith.constant 16 : index
      %get3A_185 = tpu.vector_load %arg5[%get3A_184] {strides = array<i32>} : memref<40xf32, #tpu.memory_space<vmem>>, vector<16xf32>,
      %mul3A_186 = arith.mulf %gather3A_179, %get3A_185 : vector<16xf32>
      %add3A_187 = arith.addf %add3A_172, %mul3A_186 : vector<16xf32>
      %swap3A_188 = arith.constant 0 : index
      %swap3A_189 = tpu.vector_load %arg6[%swap3A_188] {strides = array<i32>} : memref<64xf32, #tpu.memory_space<vmem>>, vector<16xf32>,
      tpu.vector_store %arg6[%swap3A_188], %add3A_183 {strides = array<i32>} : memref<64xf32, #tpu.memory_space<vmem>>, vector<16xf32>,
      %swap3A_190 = arith.constant 16 : index
      %swap3A_191 = tpu.vector_load %arg6[%swap3A_190] {strides = array<i32>} : memref<64xf32, #tpu.memory_space<vmem>>, vector<16xf32>,
      tpu.vector_store %arg6[%swap3A_190], %add3A_187 {strides = array<i32>} : memref<64xf32, #tpu.memory_space<vmem>>, vector<16xf32>,
      %mul3A_192 = arith.constant 2 : i32
      %mul3A_193 = arith.muli %mul3A_192, %add3A_14 : i32
      %add3A_194 = arith.constant 1 : i32
      %add3A_195 = arith.addi %mul3A_193, %add3A_194 : i32
      %rem3A_196 = arith.constant 15 : i32
      %rem3A_197 = arith.remsi %add3A_195, %rem3A_196 : i32
      %add3A_198 = arith.constant 7 : i32
      %add3A_199 = arith.addi %add3A_195, %add3A_198 : i32
      %rem3A_200 = arith.constant 15 : i32
      %rem3A_201 = arith.remsi %add3A_199, %rem3A_200 : i32
      %mul3A_202 = arith.constant 20 : i32
      %mul3A_203 = arith.muli %rem3A_197, %mul3A_202 : i32
      %mul3A_204 = arith.constant 20 : i32
      %mul3A_205 = arith.muli %rem3A_201, %mul3A_204 : i32
      %get3A_206 = arith.index_cast %mul3A_203 : i32 to index
      %get3A_207 = tpu.vector_load %arg4[%get3A_206] {strides = array<i32>} : memref<560xf32, #tpu.memory_space<vmem>>, vector<16xf32>,
      %get3A_208 = arith.index_cast %mul3A_205 : i32 to index
      %get3A_209 = tpu.vector_load %arg4[%get3A_208] {strides = array<i32>} : memref<560xf32, #tpu.memory_space<vmem>>, vector<16xf32>,
      %add3A_210 = arith.addf %get3A_207, %get3A_209 : vector<16xf32>
      %add3A_211 = arith.constant 16 : i32
      %add3A_212 = arith.addi %mul3A_203, %add3A_211 : i32
      %get3A_213 = arith.index_cast %add3A_212 : i32 to index
      %get3A_214 = tpu.vector_load %arg4[%get3A_213] {strides = array<i32>} : memref<560xf32, #tpu.memory_space<vmem>>, vector<16xf32>,
      %add3A_215 = arith.constant 16 : i32
      %add3A_216 = arith.addi %mul3A_205, %add3A_215 : i32
      %get3A_217 = arith.index_cast %add3A_216 : i32 to index
      %get3A_218 = tpu.vector_load %arg4[%get3A_217] {strides = array<i32>} : memref<560xf32, #tpu.memory_space<vmem>>, vector<16xf32>,
      %add3A_219 = arith.addf %get3A_214, %get3A_218 : vector<16xf32>
      %lt3A_220 = arith.constant 4 : i32
      %lt3A_221 = vector.broadcast %lt3A_220 : i32 to vector<16xi32>
      %lt3A_222 = arith.cmpi slt, %iota3A, %lt3A_221 : vector<16xi32>
      %jit3A_223 = arith.constant 0.000000e+00 : f32
      %broadcast_in_dim3A_224 = vector.broadcast %jit3A_223 : f32 to vector<16xf32>
      %select_n3A_225 = arith.select %lt3A_222, %add3A_219, %broadcast_in_dim3A_224 : vector<16xi1>, vector<16xf32>
      %swap3A_226 = arith.constant 0 : index
      %swap3A_227 = tpu.vector_load %arg5[%swap3A_226] {strides = array<i32>} : memref<40xf32, #tpu.memory_space<vmem>>, vector<16xf32>,
      tpu.vector_store %arg5[%swap3A_226], %broadcast_in_dim3A_0 {strides = array<i32>} : memref<40xf32, #tpu.memory_space<vmem>>, vector<16xf32>,
      %swap3A_228 = arith.constant 8 : index
      %swap3A_229 = tpu.vector_load %arg5[%swap3A_228] {strides = array<i32>} : memref<40xf32, #tpu.memory_space<vmem>>, vector<16xf32>,
      tpu.vector_store %arg5[%swap3A_228], %add3A_210 {strides = array<i32>} : memref<40xf32, #tpu.memory_space<vmem>>, vector<16xf32>,
      %swap3A_230 = arith.constant 24 : index
      %swap3A_231 = tpu.vector_load %arg5[%swap3A_230] {strides = array<i32>} : memref<40xf32, #tpu.memory_space<vmem>>, vector<16xf32>,
      tpu.vector_store %arg5[%swap3A_230], %select_n3A_225 {strides = array<i32>} : memref<40xf32, #tpu.memory_space<vmem>>, vector<16xf32>,
      %add3A_232 = arith.constant 320 : i32
      %add3A_233 = arith.addi %add3A_232, %add3A_195 : i32
      %broadcast_in_dim3A_234 = vector.broadcast %add3A_233 : i32 to vector<16xi32>
      %gather3A_235 = tpu.vector_load_idx %arg4[%broadcast_in_dim3A_234] : memref<560xf32, #tpu.memory_space<vmem>>[vector<16xi32>], vector<16xf32>,
      %convert_element_type3A_236 = arith.fptosi %gather3A_235 : vector<16xf32> to vector<16xi32>
      %mul3A_237 = arith.constant 9 : i32
      %mul3A_238 = vector.broadcast %mul3A_237 : i32 to vector<16xi32>
      %mul3A_239 = arith.muli %convert_element_type3A_236, %mul3A_238 : vector<16xi32>
      %add3A_240 = arith.constant 368 : i32
      %add3A_241 = vector.broadcast %add3A_240 : i32 to vector<16xi32>
      %add3A_242 = arith.addi %mul3A_239, %add3A_241 : vector<16xi32>
      %gather3A_243 = tpu.vector_load_idx %arg4[%add3A_242] : memref<560xf32, #tpu.memory_space<vmem>>[vector<16xi32>], vector<16xf32>,
      %get3A_244 = arith.constant 8 : index
      %get3A_245 = tpu.vector_load %arg5[%get3A_244] {strides = array<i32>} : memref<40xf32, #tpu.memory_space<vmem>>, vector<16xf32>,
      %mul3A_246 = arith.mulf %gather3A_243, %get3A_245 : vector<16xf32>
      %add3A_247 = arith.addf %broadcast_in_dim3A_0, %mul3A_246 : vector<16xf32>
      %get3A_248 = arith.constant 24 : index
      %get3A_249 = tpu.vector_load %arg5[%get3A_248] {strides = array<i32>} : memref<40xf32, #tpu.memory_space<vmem>>, vector<16xf32>,
      %mul3A_250 = arith.mulf %gather3A_243, %get3A_249 : vector<16xf32>
      %add3A_251 = arith.addf %broadcast_in_dim3A_0, %mul3A_250 : vector<16xf32>
      %mul3A_252 = arith.constant 9 : i32
      %mul3A_253 = vector.broadcast %mul3A_252 : i32 to vector<16xi32>
      %mul3A_254 = arith.muli %convert_element_type3A_236, %mul3A_253 : vector<16xi32>
      %add3A_255 = arith.constant 369 : i32
      %add3A_256 = vector.broadcast %add3A_255 : i32 to vector<16xi32>
      %add3A_257 = arith.addi %mul3A_254, %add3A_256 : vector<16xi32>
      %gather3A_258 = tpu.vector_load_idx %arg4[%add3A_257] : memref<560xf32, #tpu.memory_space<vmem>>[vector<16xi32>], vector<16xf32>,
      %get3A_259 = arith.constant 7 : index
      %get3A_260 = tpu.vector_load %arg5[%get3A_259] {strides = array<i32>} : memref<40xf32, #tpu.memory_space<vmem>>, vector<16xf32>,
      %mul3A_261 = arith.mulf %gather3A_258, %get3A_260 : vector<16xf32>
      %add3A_262 = arith.addf %add3A_247, %mul3A_261 : vector<16xf32>
      %get3A_263 = arith.constant 23 : index
      %get3A_264 = tpu.vector_load %arg5[%get3A_263] {strides = array<i32>} : memref<40xf32, #tpu.memory_space<vmem>>, vector<16xf32>,
      %mul3A_265 = arith.mulf %gather3A_258, %get3A_264 : vector<16xf32>
      %add3A_266 = arith.addf %add3A_251, %mul3A_265 : vector<16xf32>
      %mul3A_267 = arith.constant 9 : i32
      %mul3A_268 = vector.broadcast %mul3A_267 : i32 to vector<16xi32>
      %mul3A_269 = arith.muli %convert_element_type3A_236, %mul3A_268 : vector<16xi32>
      %add3A_270 = arith.constant 370 : i32
      %add3A_271 = vector.broadcast %add3A_270 : i32 to vector<16xi32>
      %add3A_272 = arith.addi %mul3A_269, %add3A_271 : vector<16xi32>
      %gather3A_273 = tpu.vector_load_idx %arg4[%add3A_272] : memref<560xf32, #tpu.memory_space<vmem>>[vector<16xi32>], vector<16xf32>,
      %get3A_274 = arith.constant 6 : index
      %get3A_275 = tpu.vector_load %arg5[%get3A_274] {strides = array<i32>} : memref<40xf32, #tpu.memory_space<vmem>>, vector<16xf32>,
      %mul3A_276 = arith.mulf %gather3A_273, %get3A_275 : vector<16xf32>
      %add3A_277 = arith.addf %add3A_262, %mul3A_276 : vector<16xf32>
      %get3A_278 = arith.constant 22 : index
      %get3A_279 = tpu.vector_load %arg5[%get3A_278] {strides = array<i32>} : memref<40xf32, #tpu.memory_space<vmem>>, vector<16xf32>,
      %mul3A_280 = arith.mulf %gather3A_273, %get3A_279 : vector<16xf32>
      %add3A_281 = arith.addf %add3A_266, %mul3A_280 : vector<16xf32>
      %mul3A_282 = arith.constant 9 : i32
      %mul3A_283 = vector.broadcast %mul3A_282 : i32 to vector<16xi32>
      %mul3A_284 = arith.muli %convert_element_type3A_236, %mul3A_283 : vector<16xi32>
      %add3A_285 = arith.constant 371 : i32
      %add3A_286 = vector.broadcast %add3A_285 : i32 to vector<16xi32>
      %add3A_287 = arith.addi %mul3A_284, %add3A_286 : vector<16xi32>
      %gather3A_288 = tpu.vector_load_idx %arg4[%add3A_287] : memref<560xf32, #tpu.memory_space<vmem>>[vector<16xi32>], vector<16xf32>,
      %get3A_289 = arith.constant 5 : index
      %get3A_290 = tpu.vector_load %arg5[%get3A_289] {strides = array<i32>} : memref<40xf32, #tpu.memory_space<vmem>>, vector<16xf32>,
      %mul3A_291 = arith.mulf %gather3A_288, %get3A_290 : vector<16xf32>
      %add3A_292 = arith.addf %add3A_277, %mul3A_291 : vector<16xf32>
      %get3A_293 = arith.constant 21 : index
      %get3A_294 = tpu.vector_load %arg5[%get3A_293] {strides = array<i32>} : memref<40xf32, #tpu.memory_space<vmem>>, vector<16xf32>,
      %mul3A_295 = arith.mulf %gather3A_288, %get3A_294 : vector<16xf32>
      %add3A_296 = arith.addf %add3A_281, %mul3A_295 : vector<16xf32>
      %mul3A_297 = arith.constant 9 : i32
      %mul3A_298 = vector.broadcast %mul3A_297 : i32 to vector<16xi32>
      %mul3A_299 = arith.muli %convert_element_type3A_236, %mul3A_298 : vector<16xi32>
      %add3A_300 = arith.constant 372 : i32
      %add3A_301 = vector.broadcast %add3A_300 : i32 to vector<16xi32>
      %add3A_302 = arith.addi %mul3A_299, %add3A_301 : vector<16xi32>
      %gather3A_303 = tpu.vector_load_idx %arg4[%add3A_302] : memref<560xf32, #tpu.memory_space<vmem>>[vector<16xi32>], vector<16xf32>,
      %get3A_304 = arith.constant 4 : index
      %get3A_305 = tpu.vector_load %arg5[%get3A_304] {strides = array<i32>} : memref<40xf32, #tpu.memory_space<vmem>>, vector<16xf32>,
      %mul3A_306 = arith.mulf %gather3A_303, %get3A_305 : vector<16xf32>
      %add3A_307 = arith.addf %add3A_292, %mul3A_306 : vector<16xf32>
      %get3A_308 = arith.constant 20 : index
      %get3A_309 = tpu.vector_load %arg5[%get3A_308] {strides = array<i32>} : memref<40xf32, #tpu.memory_space<vmem>>, vector<16xf32>,
      %mul3A_310 = arith.mulf %gather3A_303, %get3A_309 : vector<16xf32>
      %add3A_311 = arith.addf %add3A_296, %mul3A_310 : vector<16xf32>
      %mul3A_312 = arith.constant 9 : i32
      %mul3A_313 = vector.broadcast %mul3A_312 : i32 to vector<16xi32>
      %mul3A_314 = arith.muli %convert_element_type3A_236, %mul3A_313 : vector<16xi32>
      %add3A_315 = arith.constant 373 : i32
      %add3A_316 = vector.broadcast %add3A_315 : i32 to vector<16xi32>
      %add3A_317 = arith.addi %mul3A_314, %add3A_316 : vector<16xi32>
      %gather3A_318 = tpu.vector_load_idx %arg4[%add3A_317] : memref<560xf32, #tpu.memory_space<vmem>>[vector<16xi32>], vector<16xf32>,
      %get3A_319 = arith.constant 3 : index
      %get3A_320 = tpu.vector_load %arg5[%get3A_319] {strides = array<i32>} : memref<40xf32, #tpu.memory_space<vmem>>, vector<16xf32>,
      %mul3A_321 = arith.mulf %gather3A_318, %get3A_320 : vector<16xf32>
      %add3A_322 = arith.addf %add3A_307, %mul3A_321 : vector<16xf32>
      %get3A_323 = arith.constant 19 : index
      %get3A_324 = tpu.vector_load %arg5[%get3A_323] {strides = array<i32>} : memref<40xf32, #tpu.memory_space<vmem>>, vector<16xf32>,
      %mul3A_325 = arith.mulf %gather3A_318, %get3A_324 : vector<16xf32>
      %add3A_326 = arith.addf %add3A_311, %mul3A_325 : vector<16xf32>
      %mul3A_327 = arith.constant 9 : i32
      %mul3A_328 = vector.broadcast %mul3A_327 : i32 to vector<16xi32>
      %mul3A_329 = arith.muli %convert_element_type3A_236, %mul3A_328 : vector<16xi32>
      %add3A_330 = arith.constant 374 : i32
      %add3A_331 = vector.broadcast %add3A_330 : i32 to vector<16xi32>
      %add3A_332 = arith.addi %mul3A_329, %add3A_331 : vector<16xi32>
      %gather3A_333 = tpu.vector_load_idx %arg4[%add3A_332] : memref<560xf32, #tpu.memory_space<vmem>>[vector<16xi32>], vector<16xf32>,
      %get3A_334 = arith.constant 2 : index
      %get3A_335 = tpu.vector_load %arg5[%get3A_334] {strides = array<i32>} : memref<40xf32, #tpu.memory_space<vmem>>, vector<16xf32>,
      %mul3A_336 = arith.mulf %gather3A_333, %get3A_335 : vector<16xf32>
      %add3A_337 = arith.addf %add3A_322, %mul3A_336 : vector<16xf32>
      %get3A_338 = arith.constant 18 : index
      %get3A_339 = tpu.vector_load %arg5[%get3A_338] {strides = array<i32>} : memref<40xf32, #tpu.memory_space<vmem>>, vector<16xf32>,
      %mul3A_340 = arith.mulf %gather3A_333, %get3A_339 : vector<16xf32>
      %add3A_341 = arith.addf %add3A_326, %mul3A_340 : vector<16xf32>
      %mul3A_342 = arith.constant 9 : i32
      %mul3A_343 = vector.broadcast %mul3A_342 : i32 to vector<16xi32>
      %mul3A_344 = arith.muli %convert_element_type3A_236, %mul3A_343 : vector<16xi32>
      %add3A_345 = arith.constant 375 : i32
      %add3A_346 = vector.broadcast %add3A_345 : i32 to vector<16xi32>
      %add3A_347 = arith.addi %mul3A_344, %add3A_346 : vector<16xi32>
      %gather3A_348 = tpu.vector_load_idx %arg4[%add3A_347] : memref<560xf32, #tpu.memory_space<vmem>>[vector<16xi32>], vector<16xf32>,
      %get3A_349 = arith.constant 1 : index
      %get3A_350 = tpu.vector_load %arg5[%get3A_349] {strides = array<i32>} : memref<40xf32, #tpu.memory_space<vmem>>, vector<16xf32>,
      %mul3A_351 = arith.mulf %gather3A_348, %get3A_350 : vector<16xf32>
      %add3A_352 = arith.addf %add3A_337, %mul3A_351 : vector<16xf32>
      %get3A_353 = arith.constant 17 : index
      %get3A_354 = tpu.vector_load %arg5[%get3A_353] {strides = array<i32>} : memref<40xf32, #tpu.memory_space<vmem>>, vector<16xf32>,
      %mul3A_355 = arith.mulf %gather3A_348, %get3A_354 : vector<16xf32>
      %add3A_356 = arith.addf %add3A_341, %mul3A_355 : vector<16xf32>
      %mul3A_357 = arith.constant 9 : i32
      %mul3A_358 = vector.broadcast %mul3A_357 : i32 to vector<16xi32>
      %mul3A_359 = arith.muli %convert_element_type3A_236, %mul3A_358 : vector<16xi32>
      %add3A_360 = arith.constant 376 : i32
      %add3A_361 = vector.broadcast %add3A_360 : i32 to vector<16xi32>
      %add3A_362 = arith.addi %mul3A_359, %add3A_361 : vector<16xi32>
      %gather3A_363 = tpu.vector_load_idx %arg4[%add3A_362] : memref<560xf32, #tpu.memory_space<vmem>>[vector<16xi32>], vector<16xf32>,
      %get3A_364 = arith.constant 0 : index
      %get3A_365 = tpu.vector_load %arg5[%get3A_364] {strides = array<i32>} : memref<40xf32, #tpu.memory_space<vmem>>, vector<16xf32>,
      %mul3A_366 = arith.mulf %gather3A_363, %get3A_365 : vector<16xf32>
      %add3A_367 = arith.addf %add3A_352, %mul3A_366 : vector<16xf32>
      %get3A_368 = arith.constant 16 : index
      %get3A_369 = tpu.vector_load %arg5[%get3A_368] {strides = array<i32>} : memref<40xf32, #tpu.memory_space<vmem>>, vector<16xf32>,
      %mul3A_370 = arith.mulf %gather3A_363, %get3A_369 : vector<16xf32>
      %add3A_371 = arith.addf %add3A_356, %mul3A_370 : vector<16xf32>
      %swap3A_372 = arith.constant 28 : index
      %swap3A_373 = tpu.vector_load %arg6[%swap3A_372] {strides = array<i32>} : memref<64xf32, #tpu.memory_space<vmem>>, vector<16xf32>,
      tpu.vector_store %arg6[%swap3A_372], %add3A_367 {strides = array<i32>} : memref<64xf32, #tpu.memory_space<vmem>>, vector<16xf32>,
      %swap3A_374 = arith.constant 44 : index
      %swap3A_375 = tpu.vector_load %arg6[%swap3A_374] {strides = array<i32>} : memref<64xf32, #tpu.memory_space<vmem>>, vector<16xf32>,
      tpu.vector_store %arg6[%swap3A_374], %add3A_371 {strides = array<i32>} : memref<64xf32, #tpu.memory_space<vmem>>, vector<16xf32>,
      %mul3A_376 = arith.constant 56 : i32
      %mul3A_377 = arith.muli %mul3A_376, %add3A_14 : i32
      "tpu.region"() ({
        %run_scoped3A = tpu.sem_alloc : memref<!tpu.dma_semaphore, #tpu.memory_space<semaphore_mem>>
        %dma_start3A = arith.constant 0 : i32
        %dma_start3A_378 = tpu.memref_slice %arg6[%dma_start3A] : memref<64xf32, #tpu.memory_space<vmem>> -> memref<56xf32, #tpu.memory_space<vmem>>
        %dma_start3A_379 = tpu.memref_slice %arg3[%mul3A_377] : memref<952xf32, #tpu.memory_space<hbm>> -> memref<56xf32, #tpu.memory_space<hbm>>
        %dma_start3A_380 = tpu.memref_slice %arg3[%mul3A_377] : memref<952xf32, #tpu.memory_space<hbm>> -> memref<56xf32, #tpu.memory_space<hbm>>
        %dma_start3A_381 = arith.constant 0 : i32
        %dma_start3A_382 = tpu.memref_slice %arg6[%dma_start3A_381] : memref<64xf32, #tpu.memory_space<vmem>> -> memref<56xf32, #tpu.memory_space<vmem>>
        tpu.enqueue_dma source(%dma_start3A_382 : memref<56xf32, #tpu.memory_space<vmem>>) target(%dma_start3A_380 : memref<56xf32, #tpu.memory_space<hbm>>) target_semaphore(%run_scoped3A : memref<!tpu.dma_semaphore, #tpu.memory_space<semaphore_mem>>)
        %dma_wait3A = arith.constant 0 : i32
        %dma_wait3A_383 = tpu.memref_slice %arg6[%dma_wait3A] : memref<64xf32, #tpu.memory_space<vmem>> -> memref<56xf32, #tpu.memory_space<vmem>>
        %dma_wait3A_384 = tpu.memref_slice %arg3[%mul3A_377] : memref<952xf32, #tpu.memory_space<hbm>> -> memref<56xf32, #tpu.memory_space<hbm>>
        %dma_wait3A_385 = tpu.memref_slice %arg3[%mul3A_377] : memref<952xf32, #tpu.memory_space<hbm>> -> memref<56xf32, #tpu.memory_space<hbm>>
        %dma_wait3A_386 = arith.constant 0 : i32
        %dma_wait3A_387 = tpu.memref_slice %arg6[%dma_wait3A_386] : memref<64xf32, #tpu.memory_space<vmem>> -> memref<56xf32, #tpu.memory_space<vmem>>
        tpu.wait_dma2 semaphore(%run_scoped3A : memref<!tpu.dma_semaphore, #tpu.memory_space<semaphore_mem>>) src(%dma_wait3A_387 : memref<56xf32, #tpu.memory_space<vmem>>) dst(%dma_wait3A_385 : memref<56xf32, #tpu.memory_space<hbm>>)
        tpu.yield
      }) : () -> ()
    }
    %while3A_11 = arith.constant 1 : i32
    scf.for %while3A_12 = %while3A_9 to %while3A_5 step %while3A_11  : i32 {
      %mul3A = arith.constant 16 : i32
      %mul3A_13 = arith.muli %mul3A, %while3A_12 : i32
      %add3A_14 = arith.addi %arg1, %mul3A_13 : i32
      %mul3A_15 = arith.constant 2 : i32
      %mul3A_16 = arith.muli %mul3A_15, %add3A_14 : i32
      %add3A_17 = arith.constant 0 : i32
      %add3A_18 = arith.addi %mul3A_16, %add3A_17 : i32
      %rem3A = arith.constant 15 : i32
      %rem3A_19 = arith.remsi %add3A_18, %rem3A : i32
      %add3A_20 = arith.constant 7 : i32
      %add3A_21 = arith.addi %add3A_18, %add3A_20 : i32
      %rem3A_22 = arith.constant 15 : i32
      %rem3A_23 = arith.remsi %add3A_21, %rem3A_22 : i32
      %mul3A_24 = arith.constant 20 : i32
      %mul3A_25 = arith.muli %rem3A_19, %mul3A_24 : i32
      %mul3A_26 = arith.constant 20 : i32
      %mul3A_27 = arith.muli %rem3A_23, %mul3A_26 : i32
      %get3A = arith.index_cast %mul3A_25 : i32 to index
      %get3A_28 = tpu.vector_load %arg4[%get3A] {strides = array<i32>} : memref<560xf32, #tpu.memory_space<vmem>>, vector<16xf32>,
      %get3A_29 = arith.index_cast %mul3A_27 : i32 to index
      %get3A_30 = tpu.vector_load %arg4[%get3A_29] {strides = array<i32>} : memref<560xf32, #tpu.memory_space<vmem>>, vector<16xf32>,
      %add3A_31 = arith.addf %get3A_28, %get3A_30 : vector<16xf32>
      %add3A_32 = arith.constant 16 : i32
      %add3A_33 = arith.addi %mul3A_25, %add3A_32 : i32
      %get3A_34 = arith.index_cast %add3A_33 : i32 to index
      %get3A_35 = tpu.vector_load %arg4[%get3A_34] {strides = array<i32>} : memref<560xf32, #tpu.memory_space<vmem>>, vector<16xf32>,
      %add3A_36 = arith.constant 16 : i32
      %add3A_37 = arith.addi %mul3A_27, %add3A_36 : i32
      %get3A_38 = arith.index_cast %add3A_37 : i32 to index
      %get3A_39 = tpu.vector_load %arg4[%get3A_38] {strides = array<i32>} : memref<560xf32, #tpu.memory_space<vmem>>, vector<16xf32>,
      %add3A_40 = arith.addf %get3A_35, %get3A_39 : vector<16xf32>
      %lt3A = arith.constant 4 : i32
      %lt3A_41 = vector.broadcast %lt3A : i32 to vector<16xi32>
      %lt3A_42 = arith.cmpi slt, %iota3A, %lt3A_41 : vector<16xi32>
      %jit3A = arith.constant 0.000000e+00 : f32
      %broadcast_in_dim3A_43 = vector.broadcast %jit3A : f32 to vector<16xf32>
      %select_n3A = arith.select %lt3A_42, %add3A_40, %broadcast_in_dim3A_43 : vector<16xi1>, vector<16xf32>
      %swap3A = arith.constant 0 : index
      %swap3A_44 = tpu.vector_load %arg5[%swap3A] {strides = array<i32>} : memref<40xf32, #tpu.memory_space<vmem>>, vector<16xf32>,
      tpu.vector_store %arg5[%swap3A], %broadcast_in_dim3A_0 {strides = array<i32>} : memref<40xf32, #tpu.memory_space<vmem>>, vector<16xf32>,
      %swap3A_45 = arith.constant 8 : index
      %swap3A_46 = tpu.vector_load %arg5[%swap3A_45] {strides = array<i32>} : memref<40xf32, #tpu.memory_space<vmem>>, vector<16xf32>,
      tpu.vector_store %arg5[%swap3A_45], %add3A_31 {strides = array<i32>} : memref<40xf32, #tpu.memory_space<vmem>>, vector<16xf32>,
      %swap3A_47 = arith.constant 24 : index
      %swap3A_48 = tpu.vector_load %arg5[%swap3A_47] {strides = array<i32>} : memref<40xf32, #tpu.memory_space<vmem>>, vector<16xf32>,
      tpu.vector_store %arg5[%swap3A_47], %select_n3A {strides = array<i32>} : memref<40xf32, #tpu.memory_space<vmem>>, vector<16xf32>,
      %add3A_49 = arith.constant 320 : i32
      %add3A_50 = arith.addi %add3A_49, %add3A_18 : i32
      %broadcast_in_dim3A_51 = vector.broadcast %add3A_50 : i32 to vector<16xi32>
      %gather3A = tpu.vector_load_idx %arg4[%broadcast_in_dim3A_51] : memref<560xf32, #tpu.memory_space<vmem>>[vector<16xi32>], vector<16xf32>,
      %convert_element_type3A_52 = arith.fptosi %gather3A : vector<16xf32> to vector<16xi32>
      %mul3A_53 = arith.constant 9 : i32
      %mul3A_54 = vector.broadcast %mul3A_53 : i32 to vector<16xi32>
      %mul3A_55 = arith.muli %convert_element_type3A_52, %mul3A_54 : vector<16xi32>
      %add3A_56 = arith.constant 368 : i32
      %add3A_57 = vector.broadcast %add3A_56 : i32 to vector<16xi32>
      %add3A_58 = arith.addi %mul3A_55, %add3A_57 : vector<16xi32>
      %gather3A_59 = tpu.vector_load_idx %arg4[%add3A_58] : memref<560xf32, #tpu.memory_space<vmem>>[vector<16xi32>], vector<16xf32>,
      %get3A_60 = arith.constant 8 : index
      %get3A_61 = tpu.vector_load %arg5[%get3A_60] {strides = array<i32>} : memref<40xf32, #tpu.memory_space<vmem>>, vector<16xf32>,
      %mul3A_62 = arith.mulf %gather3A_59, %get3A_61 : vector<16xf32>
      %add3A_63 = arith.addf %broadcast_in_dim3A_0, %mul3A_62 : vector<16xf32>
      %get3A_64 = arith.constant 24 : index
      %get3A_65 = tpu.vector_load %arg5[%get3A_64] {strides = array<i32>} : memref<40xf32, #tpu.memory_space<vmem>>, vector<16xf32>,
      %mul3A_66 = arith.mulf %gather3A_59, %get3A_65 : vector<16xf32>
      %add3A_67 = arith.addf %broadcast_in_dim3A_0, %mul3A_66 : vector<16xf32>
      %mul3A_68 = arith.constant 9 : i32
      %mul3A_69 = vector.broadcast %mul3A_68 : i32 to vector<16xi32>
      %mul3A_70 = arith.muli %convert_element_type3A_52, %mul3A_69 : vector<16xi32>
      %add3A_71 = arith.constant 369 : i32
      %add3A_72 = vector.broadcast %add3A_71 : i32 to vector<16xi32>
      %add3A_73 = arith.addi %mul3A_70, %add3A_72 : vector<16xi32>
      %gather3A_74 = tpu.vector_load_idx %arg4[%add3A_73] : memref<560xf32, #tpu.memory_space<vmem>>[vector<16xi32>], vector<16xf32>,
      %get3A_75 = arith.constant 7 : index
      %get3A_76 = tpu.vector_load %arg5[%get3A_75] {strides = array<i32>} : memref<40xf32, #tpu.memory_space<vmem>>, vector<16xf32>,
      %mul3A_77 = arith.mulf %gather3A_74, %get3A_76 : vector<16xf32>
      %add3A_78 = arith.addf %add3A_63, %mul3A_77 : vector<16xf32>
      %get3A_79 = arith.constant 23 : index
      %get3A_80 = tpu.vector_load %arg5[%get3A_79] {strides = array<i32>} : memref<40xf32, #tpu.memory_space<vmem>>, vector<16xf32>,
      %mul3A_81 = arith.mulf %gather3A_74, %get3A_80 : vector<16xf32>
      %add3A_82 = arith.addf %add3A_67, %mul3A_81 : vector<16xf32>
      %mul3A_83 = arith.constant 9 : i32
      %mul3A_84 = vector.broadcast %mul3A_83 : i32 to vector<16xi32>
      %mul3A_85 = arith.muli %convert_element_type3A_52, %mul3A_84 : vector<16xi32>
      %add3A_86 = arith.constant 370 : i32
      %add3A_87 = vector.broadcast %add3A_86 : i32 to vector<16xi32>
      %add3A_88 = arith.addi %mul3A_85, %add3A_87 : vector<16xi32>
      %gather3A_89 = tpu.vector_load_idx %arg4[%add3A_88] : memref<560xf32, #tpu.memory_space<vmem>>[vector<16xi32>], vector<16xf32>,
      %get3A_90 = arith.constant 6 : index
      %get3A_91 = tpu.vector_load %arg5[%get3A_90] {strides = array<i32>} : memref<40xf32, #tpu.memory_space<vmem>>, vector<16xf32>,
      %mul3A_92 = arith.mulf %gather3A_89, %get3A_91 : vector<16xf32>
      %add3A_93 = arith.addf %add3A_78, %mul3A_92 : vector<16xf32>
      %get3A_94 = arith.constant 22 : index
      %get3A_95 = tpu.vector_load %arg5[%get3A_94] {strides = array<i32>} : memref<40xf32, #tpu.memory_space<vmem>>, vector<16xf32>,
      %mul3A_96 = arith.mulf %gather3A_89, %get3A_95 : vector<16xf32>
      %add3A_97 = arith.addf %add3A_82, %mul3A_96 : vector<16xf32>
      %mul3A_98 = arith.constant 9 : i32
      %mul3A_99 = vector.broadcast %mul3A_98 : i32 to vector<16xi32>
      %mul3A_100 = arith.muli %convert_element_type3A_52, %mul3A_99 : vector<16xi32>
      %add3A_101 = arith.constant 371 : i32
      %add3A_102 = vector.broadcast %add3A_101 : i32 to vector<16xi32>
      %add3A_103 = arith.addi %mul3A_100, %add3A_102 : vector<16xi32>
      %gather3A_104 = tpu.vector_load_idx %arg4[%add3A_103] : memref<560xf32, #tpu.memory_space<vmem>>[vector<16xi32>], vector<16xf32>,
      %get3A_105 = arith.constant 5 : index
      %get3A_106 = tpu.vector_load %arg5[%get3A_105] {strides = array<i32>} : memref<40xf32, #tpu.memory_space<vmem>>, vector<16xf32>,
      %mul3A_107 = arith.mulf %gather3A_104, %get3A_106 : vector<16xf32>
      %add3A_108 = arith.addf %add3A_93, %mul3A_107 : vector<16xf32>
      %get3A_109 = arith.constant 21 : index
      %get3A_110 = tpu.vector_load %arg5[%get3A_109] {strides = array<i32>} : memref<40xf32, #tpu.memory_space<vmem>>, vector<16xf32>,
      %mul3A_111 = arith.mulf %gather3A_104, %get3A_110 : vector<16xf32>
      %add3A_112 = arith.addf %add3A_97, %mul3A_111 : vector<16xf32>
      %mul3A_113 = arith.constant 9 : i32
      %mul3A_114 = vector.broadcast %mul3A_113 : i32 to vector<16xi32>
      %mul3A_115 = arith.muli %convert_element_type3A_52, %mul3A_114 : vector<16xi32>
      %add3A_116 = arith.constant 372 : i32
      %add3A_117 = vector.broadcast %add3A_116 : i32 to vector<16xi32>
      %add3A_118 = arith.addi %mul3A_115, %add3A_117 : vector<16xi32>
      %gather3A_119 = tpu.vector_load_idx %arg4[%add3A_118] : memref<560xf32, #tpu.memory_space<vmem>>[vector<16xi32>], vector<16xf32>,
      %get3A_120 = arith.constant 4 : index
      %get3A_121 = tpu.vector_load %arg5[%get3A_120] {strides = array<i32>} : memref<40xf32, #tpu.memory_space<vmem>>, vector<16xf32>,
      %mul3A_122 = arith.mulf %gather3A_119, %get3A_121 : vector<16xf32>
      %add3A_123 = arith.addf %add3A_108, %mul3A_122 : vector<16xf32>
      %get3A_124 = arith.constant 20 : index
      %get3A_125 = tpu.vector_load %arg5[%get3A_124] {strides = array<i32>} : memref<40xf32, #tpu.memory_space<vmem>>, vector<16xf32>,
      %mul3A_126 = arith.mulf %gather3A_119, %get3A_125 : vector<16xf32>
      %add3A_127 = arith.addf %add3A_112, %mul3A_126 : vector<16xf32>
      %mul3A_128 = arith.constant 9 : i32
      %mul3A_129 = vector.broadcast %mul3A_128 : i32 to vector<16xi32>
      %mul3A_130 = arith.muli %convert_element_type3A_52, %mul3A_129 : vector<16xi32>
      %add3A_131 = arith.constant 373 : i32
      %add3A_132 = vector.broadcast %add3A_131 : i32 to vector<16xi32>
      %add3A_133 = arith.addi %mul3A_130, %add3A_132 : vector<16xi32>
      %gather3A_134 = tpu.vector_load_idx %arg4[%add3A_133] : memref<560xf32, #tpu.memory_space<vmem>>[vector<16xi32>], vector<16xf32>,
      %get3A_135 = arith.constant 3 : index
      %get3A_136 = tpu.vector_load %arg5[%get3A_135] {strides = array<i32>} : memref<40xf32, #tpu.memory_space<vmem>>, vector<16xf32>,
      %mul3A_137 = arith.mulf %gather3A_134, %get3A_136 : vector<16xf32>
      %add3A_138 = arith.addf %add3A_123, %mul3A_137 : vector<16xf32>
      %get3A_139 = arith.constant 19 : index
      %get3A_140 = tpu.vector_load %arg5[%get3A_139] {strides = array<i32>} : memref<40xf32, #tpu.memory_space<vmem>>, vector<16xf32>,
      %mul3A_141 = arith.mulf %gather3A_134, %get3A_140 : vector<16xf32>
      %add3A_142 = arith.addf %add3A_127, %mul3A_141 : vector<16xf32>
      %mul3A_143 = arith.constant 9 : i32
      %mul3A_144 = vector.broadcast %mul3A_143 : i32 to vector<16xi32>
      %mul3A_145 = arith.muli %convert_element_type3A_52, %mul3A_144 : vector<16xi32>
      %add3A_146 = arith.constant 374 : i32
      %add3A_147 = vector.broadcast %add3A_146 : i32 to vector<16xi32>
      %add3A_148 = arith.addi %mul3A_145, %add3A_147 : vector<16xi32>
      %gather3A_149 = tpu.vector_load_idx %arg4[%add3A_148] : memref<560xf32, #tpu.memory_space<vmem>>[vector<16xi32>], vector<16xf32>,
      %get3A_150 = arith.constant 2 : index
      %get3A_151 = tpu.vector_load %arg5[%get3A_150] {strides = array<i32>} : memref<40xf32, #tpu.memory_space<vmem>>, vector<16xf32>,
      %mul3A_152 = arith.mulf %gather3A_149, %get3A_151 : vector<16xf32>
      %add3A_153 = arith.addf %add3A_138, %mul3A_152 : vector<16xf32>
      %get3A_154 = arith.constant 18 : index
      %get3A_155 = tpu.vector_load %arg5[%get3A_154] {strides = array<i32>} : memref<40xf32, #tpu.memory_space<vmem>>, vector<16xf32>,
      %mul3A_156 = arith.mulf %gather3A_149, %get3A_155 : vector<16xf32>
      %add3A_157 = arith.addf %add3A_142, %mul3A_156 : vector<16xf32>
      %mul3A_158 = arith.constant 9 : i32
      %mul3A_159 = vector.broadcast %mul3A_158 : i32 to vector<16xi32>
      %mul3A_160 = arith.muli %convert_element_type3A_52, %mul3A_159 : vector<16xi32>
      %add3A_161 = arith.constant 375 : i32
      %add3A_162 = vector.broadcast %add3A_161 : i32 to vector<16xi32>
      %add3A_163 = arith.addi %mul3A_160, %add3A_162 : vector<16xi32>
      %gather3A_164 = tpu.vector_load_idx %arg4[%add3A_163] : memref<560xf32, #tpu.memory_space<vmem>>[vector<16xi32>], vector<16xf32>,
      %get3A_165 = arith.constant 1 : index
      %get3A_166 = tpu.vector_load %arg5[%get3A_165] {strides = array<i32>} : memref<40xf32, #tpu.memory_space<vmem>>, vector<16xf32>,
      %mul3A_167 = arith.mulf %gather3A_164, %get3A_166 : vector<16xf32>
      %add3A_168 = arith.addf %add3A_153, %mul3A_167 : vector<16xf32>
      %get3A_169 = arith.constant 17 : index
      %get3A_170 = tpu.vector_load %arg5[%get3A_169] {strides = array<i32>} : memref<40xf32, #tpu.memory_space<vmem>>, vector<16xf32>,
      %mul3A_171 = arith.mulf %gather3A_164, %get3A_170 : vector<16xf32>
      %add3A_172 = arith.addf %add3A_157, %mul3A_171 : vector<16xf32>
      %mul3A_173 = arith.constant 9 : i32
      %mul3A_174 = vector.broadcast %mul3A_173 : i32 to vector<16xi32>
      %mul3A_175 = arith.muli %convert_element_type3A_52, %mul3A_174 : vector<16xi32>
      %add3A_176 = arith.constant 376 : i32
      %add3A_177 = vector.broadcast %add3A_176 : i32 to vector<16xi32>
      %add3A_178 = arith.addi %mul3A_175, %add3A_177 : vector<16xi32>
      %gather3A_179 = tpu.vector_load_idx %arg4[%add3A_178] : memref<560xf32, #tpu.memory_space<vmem>>[vector<16xi32>], vector<16xf32>,
      %get3A_180 = arith.constant 0 : index
      %get3A_181 = tpu.vector_load %arg5[%get3A_180] {strides = array<i32>} : memref<40xf32, #tpu.memory_space<vmem>>, vector<16xf32>,
      %mul3A_182 = arith.mulf %gather3A_179, %get3A_181 : vector<16xf32>
      %add3A_183 = arith.addf %add3A_168, %mul3A_182 : vector<16xf32>
      %get3A_184 = arith.constant 16 : index
      %get3A_185 = tpu.vector_load %arg5[%get3A_184] {strides = array<i32>} : memref<40xf32, #tpu.memory_space<vmem>>, vector<16xf32>,
      %mul3A_186 = arith.mulf %gather3A_179, %get3A_185 : vector<16xf32>
      %add3A_187 = arith.addf %add3A_172, %mul3A_186 : vector<16xf32>
      %swap3A_188 = arith.constant 0 : index
      %swap3A_189 = tpu.vector_load %arg6[%swap3A_188] {strides = array<i32>} : memref<64xf32, #tpu.memory_space<vmem>>, vector<16xf32>,
      tpu.vector_store %arg6[%swap3A_188], %add3A_183 {strides = array<i32>} : memref<64xf32, #tpu.memory_space<vmem>>, vector<16xf32>,
      %swap3A_190 = arith.constant 16 : index
      %swap3A_191 = tpu.vector_load %arg6[%swap3A_190] {strides = array<i32>} : memref<64xf32, #tpu.memory_space<vmem>>, vector<16xf32>,
      tpu.vector_store %arg6[%swap3A_190], %add3A_187 {strides = array<i32>} : memref<64xf32, #tpu.memory_space<vmem>>, vector<16xf32>,
      %mul3A_192 = arith.constant 2 : i32
      %mul3A_193 = arith.muli %mul3A_192, %add3A_14 : i32
      %add3A_194 = arith.constant 1 : i32
      %add3A_195 = arith.addi %mul3A_193, %add3A_194 : i32
      %rem3A_196 = arith.constant 15 : i32
      %rem3A_197 = arith.remsi %add3A_195, %rem3A_196 : i32
      %add3A_198 = arith.constant 7 : i32
      %add3A_199 = arith.addi %add3A_195, %add3A_198 : i32
      %rem3A_200 = arith.constant 15 : i32
      %rem3A_201 = arith.remsi %add3A_199, %rem3A_200 : i32
      %mul3A_202 = arith.constant 20 : i32
      %mul3A_203 = arith.muli %rem3A_197, %mul3A_202 : i32
      %mul3A_204 = arith.constant 20 : i32
      %mul3A_205 = arith.muli %rem3A_201, %mul3A_204 : i32
      %get3A_206 = arith.index_cast %mul3A_203 : i32 to index
      %get3A_207 = tpu.vector_load %arg4[%get3A_206] {strides = array<i32>} : memref<560xf32, #tpu.memory_space<vmem>>, vector<16xf32>,
      %get3A_208 = arith.index_cast %mul3A_205 : i32 to index
      %get3A_209 = tpu.vector_load %arg4[%get3A_208] {strides = array<i32>} : memref<560xf32, #tpu.memory_space<vmem>>, vector<16xf32>,
      %add3A_210 = arith.addf %get3A_207, %get3A_209 : vector<16xf32>
      %add3A_211 = arith.constant 16 : i32
      %add3A_212 = arith.addi %mul3A_203, %add3A_211 : i32
      %get3A_213 = arith.index_cast %add3A_212 : i32 to index
      %get3A_214 = tpu.vector_load %arg4[%get3A_213] {strides = array<i32>} : memref<560xf32, #tpu.memory_space<vmem>>, vector<16xf32>,
      %add3A_215 = arith.constant 16 : i32
      %add3A_216 = arith.addi %mul3A_205, %add3A_215 : i32
      %get3A_217 = arith.index_cast %add3A_216 : i32 to index
      %get3A_218 = tpu.vector_load %arg4[%get3A_217] {strides = array<i32>} : memref<560xf32, #tpu.memory_space<vmem>>, vector<16xf32>,
      %add3A_219 = arith.addf %get3A_214, %get3A_218 : vector<16xf32>
      %lt3A_220 = arith.constant 4 : i32
      %lt3A_221 = vector.broadcast %lt3A_220 : i32 to vector<16xi32>
      %lt3A_222 = arith.cmpi slt, %iota3A, %lt3A_221 : vector<16xi32>
      %jit3A_223 = arith.constant 0.000000e+00 : f32
      %broadcast_in_dim3A_224 = vector.broadcast %jit3A_223 : f32 to vector<16xf32>
      %select_n3A_225 = arith.select %lt3A_222, %add3A_219, %broadcast_in_dim3A_224 : vector<16xi1>, vector<16xf32>
      %swap3A_226 = arith.constant 0 : index
      %swap3A_227 = tpu.vector_load %arg5[%swap3A_226] {strides = array<i32>} : memref<40xf32, #tpu.memory_space<vmem>>, vector<16xf32>,
      tpu.vector_store %arg5[%swap3A_226], %broadcast_in_dim3A_0 {strides = array<i32>} : memref<40xf32, #tpu.memory_space<vmem>>, vector<16xf32>,
      %swap3A_228 = arith.constant 8 : index
      %swap3A_229 = tpu.vector_load %arg5[%swap3A_228] {strides = array<i32>} : memref<40xf32, #tpu.memory_space<vmem>>, vector<16xf32>,
      tpu.vector_store %arg5[%swap3A_228], %add3A_210 {strides = array<i32>} : memref<40xf32, #tpu.memory_space<vmem>>, vector<16xf32>,
      %swap3A_230 = arith.constant 24 : index
      %swap3A_231 = tpu.vector_load %arg5[%swap3A_230] {strides = array<i32>} : memref<40xf32, #tpu.memory_space<vmem>>, vector<16xf32>,
      tpu.vector_store %arg5[%swap3A_230], %select_n3A_225 {strides = array<i32>} : memref<40xf32, #tpu.memory_space<vmem>>, vector<16xf32>,
      %add3A_232 = arith.constant 320 : i32
      %add3A_233 = arith.addi %add3A_232, %add3A_195 : i32
      %broadcast_in_dim3A_234 = vector.broadcast %add3A_233 : i32 to vector<16xi32>
      %gather3A_235 = tpu.vector_load_idx %arg4[%broadcast_in_dim3A_234] : memref<560xf32, #tpu.memory_space<vmem>>[vector<16xi32>], vector<16xf32>,
      %convert_element_type3A_236 = arith.fptosi %gather3A_235 : vector<16xf32> to vector<16xi32>
      %mul3A_237 = arith.constant 9 : i32
      %mul3A_238 = vector.broadcast %mul3A_237 : i32 to vector<16xi32>
      %mul3A_239 = arith.muli %convert_element_type3A_236, %mul3A_238 : vector<16xi32>
      %add3A_240 = arith.constant 368 : i32
      %add3A_241 = vector.broadcast %add3A_240 : i32 to vector<16xi32>
      %add3A_242 = arith.addi %mul3A_239, %add3A_241 : vector<16xi32>
      %gather3A_243 = tpu.vector_load_idx %arg4[%add3A_242] : memref<560xf32, #tpu.memory_space<vmem>>[vector<16xi32>], vector<16xf32>,
      %get3A_244 = arith.constant 8 : index
      %get3A_245 = tpu.vector_load %arg5[%get3A_244] {strides = array<i32>} : memref<40xf32, #tpu.memory_space<vmem>>, vector<16xf32>,
      %mul3A_246 = arith.mulf %gather3A_243, %get3A_245 : vector<16xf32>
      %add3A_247 = arith.addf %broadcast_in_dim3A_0, %mul3A_246 : vector<16xf32>
      %get3A_248 = arith.constant 24 : index
      %get3A_249 = tpu.vector_load %arg5[%get3A_248] {strides = array<i32>} : memref<40xf32, #tpu.memory_space<vmem>>, vector<16xf32>,
      %mul3A_250 = arith.mulf %gather3A_243, %get3A_249 : vector<16xf32>
      %add3A_251 = arith.addf %broadcast_in_dim3A_0, %mul3A_250 : vector<16xf32>
      %mul3A_252 = arith.constant 9 : i32
      %mul3A_253 = vector.broadcast %mul3A_252 : i32 to vector<16xi32>
      %mul3A_254 = arith.muli %convert_element_type3A_236, %mul3A_253 : vector<16xi32>
      %add3A_255 = arith.constant 369 : i32
      %add3A_256 = vector.broadcast %add3A_255 : i32 to vector<16xi32>
      %add3A_257 = arith.addi %mul3A_254, %add3A_256 : vector<16xi32>
      %gather3A_258 = tpu.vector_load_idx %arg4[%add3A_257] : memref<560xf32, #tpu.memory_space<vmem>>[vector<16xi32>], vector<16xf32>,
      %get3A_259 = arith.constant 7 : index
      %get3A_260 = tpu.vector_load %arg5[%get3A_259] {strides = array<i32>} : memref<40xf32, #tpu.memory_space<vmem>>, vector<16xf32>,
      %mul3A_261 = arith.mulf %gather3A_258, %get3A_260 : vector<16xf32>
      %add3A_262 = arith.addf %add3A_247, %mul3A_261 : vector<16xf32>
      %get3A_263 = arith.constant 23 : index
      %get3A_264 = tpu.vector_load %arg5[%get3A_263] {strides = array<i32>} : memref<40xf32, #tpu.memory_space<vmem>>, vector<16xf32>,
      %mul3A_265 = arith.mulf %gather3A_258, %get3A_264 : vector<16xf32>
      %add3A_266 = arith.addf %add3A_251, %mul3A_265 : vector<16xf32>
      %mul3A_267 = arith.constant 9 : i32
      %mul3A_268 = vector.broadcast %mul3A_267 : i32 to vector<16xi32>
      %mul3A_269 = arith.muli %convert_element_type3A_236, %mul3A_268 : vector<16xi32>
      %add3A_270 = arith.constant 370 : i32
      %add3A_271 = vector.broadcast %add3A_270 : i32 to vector<16xi32>
      %add3A_272 = arith.addi %mul3A_269, %add3A_271 : vector<16xi32>
      %gather3A_273 = tpu.vector_load_idx %arg4[%add3A_272] : memref<560xf32, #tpu.memory_space<vmem>>[vector<16xi32>], vector<16xf32>,
      %get3A_274 = arith.constant 6 : index
      %get3A_275 = tpu.vector_load %arg5[%get3A_274] {strides = array<i32>} : memref<40xf32, #tpu.memory_space<vmem>>, vector<16xf32>,
      %mul3A_276 = arith.mulf %gather3A_273, %get3A_275 : vector<16xf32>
      %add3A_277 = arith.addf %add3A_262, %mul3A_276 : vector<16xf32>
      %get3A_278 = arith.constant 22 : index
      %get3A_279 = tpu.vector_load %arg5[%get3A_278] {strides = array<i32>} : memref<40xf32, #tpu.memory_space<vmem>>, vector<16xf32>,
      %mul3A_280 = arith.mulf %gather3A_273, %get3A_279 : vector<16xf32>
      %add3A_281 = arith.addf %add3A_266, %mul3A_280 : vector<16xf32>
      %mul3A_282 = arith.constant 9 : i32
      %mul3A_283 = vector.broadcast %mul3A_282 : i32 to vector<16xi32>
      %mul3A_284 = arith.muli %convert_element_type3A_236, %mul3A_283 : vector<16xi32>
      %add3A_285 = arith.constant 371 : i32
      %add3A_286 = vector.broadcast %add3A_285 : i32 to vector<16xi32>
      %add3A_287 = arith.addi %mul3A_284, %add3A_286 : vector<16xi32>
      %gather3A_288 = tpu.vector_load_idx %arg4[%add3A_287] : memref<560xf32, #tpu.memory_space<vmem>>[vector<16xi32>], vector<16xf32>,
      %get3A_289 = arith.constant 5 : index
      %get3A_290 = tpu.vector_load %arg5[%get3A_289] {strides = array<i32>} : memref<40xf32, #tpu.memory_space<vmem>>, vector<16xf32>,
      %mul3A_291 = arith.mulf %gather3A_288, %get3A_290 : vector<16xf32>
      %add3A_292 = arith.addf %add3A_277, %mul3A_291 : vector<16xf32>
      %get3A_293 = arith.constant 21 : index
      %get3A_294 = tpu.vector_load %arg5[%get3A_293] {strides = array<i32>} : memref<40xf32, #tpu.memory_space<vmem>>, vector<16xf32>,
      %mul3A_295 = arith.mulf %gather3A_288, %get3A_294 : vector<16xf32>
      %add3A_296 = arith.addf %add3A_281, %mul3A_295 : vector<16xf32>
      %mul3A_297 = arith.constant 9 : i32
      %mul3A_298 = vector.broadcast %mul3A_297 : i32 to vector<16xi32>
      %mul3A_299 = arith.muli %convert_element_type3A_236, %mul3A_298 : vector<16xi32>
      %add3A_300 = arith.constant 372 : i32
      %add3A_301 = vector.broadcast %add3A_300 : i32 to vector<16xi32>
      %add3A_302 = arith.addi %mul3A_299, %add3A_301 : vector<16xi32>
      %gather3A_303 = tpu.vector_load_idx %arg4[%add3A_302] : memref<560xf32, #tpu.memory_space<vmem>>[vector<16xi32>], vector<16xf32>,
      %get3A_304 = arith.constant 4 : index
      %get3A_305 = tpu.vector_load %arg5[%get3A_304] {strides = array<i32>} : memref<40xf32, #tpu.memory_space<vmem>>, vector<16xf32>,
      %mul3A_306 = arith.mulf %gather3A_303, %get3A_305 : vector<16xf32>
      %add3A_307 = arith.addf %add3A_292, %mul3A_306 : vector<16xf32>
      %get3A_308 = arith.constant 20 : index
      %get3A_309 = tpu.vector_load %arg5[%get3A_308] {strides = array<i32>} : memref<40xf32, #tpu.memory_space<vmem>>, vector<16xf32>,
      %mul3A_310 = arith.mulf %gather3A_303, %get3A_309 : vector<16xf32>
      %add3A_311 = arith.addf %add3A_296, %mul3A_310 : vector<16xf32>
      %mul3A_312 = arith.constant 9 : i32
      %mul3A_313 = vector.broadcast %mul3A_312 : i32 to vector<16xi32>
      %mul3A_314 = arith.muli %convert_element_type3A_236, %mul3A_313 : vector<16xi32>
      %add3A_315 = arith.constant 373 : i32
      %add3A_316 = vector.broadcast %add3A_315 : i32 to vector<16xi32>
      %add3A_317 = arith.addi %mul3A_314, %add3A_316 : vector<16xi32>
      %gather3A_318 = tpu.vector_load_idx %arg4[%add3A_317] : memref<560xf32, #tpu.memory_space<vmem>>[vector<16xi32>], vector<16xf32>,
      %get3A_319 = arith.constant 3 : index
      %get3A_320 = tpu.vector_load %arg5[%get3A_319] {strides = array<i32>} : memref<40xf32, #tpu.memory_space<vmem>>, vector<16xf32>,
      %mul3A_321 = arith.mulf %gather3A_318, %get3A_320 : vector<16xf32>
      %add3A_322 = arith.addf %add3A_307, %mul3A_321 : vector<16xf32>
      %get3A_323 = arith.constant 19 : index
      %get3A_324 = tpu.vector_load %arg5[%get3A_323] {strides = array<i32>} : memref<40xf32, #tpu.memory_space<vmem>>, vector<16xf32>,
      %mul3A_325 = arith.mulf %gather3A_318, %get3A_324 : vector<16xf32>
      %add3A_326 = arith.addf %add3A_311, %mul3A_325 : vector<16xf32>
      %mul3A_327 = arith.constant 9 : i32
      %mul3A_328 = vector.broadcast %mul3A_327 : i32 to vector<16xi32>
      %mul3A_329 = arith.muli %convert_element_type3A_236, %mul3A_328 : vector<16xi32>
      %add3A_330 = arith.constant 374 : i32
      %add3A_331 = vector.broadcast %add3A_330 : i32 to vector<16xi32>
      %add3A_332 = arith.addi %mul3A_329, %add3A_331 : vector<16xi32>
      %gather3A_333 = tpu.vector_load_idx %arg4[%add3A_332] : memref<560xf32, #tpu.memory_space<vmem>>[vector<16xi32>], vector<16xf32>,
      %get3A_334 = arith.constant 2 : index
      %get3A_335 = tpu.vector_load %arg5[%get3A_334] {strides = array<i32>} : memref<40xf32, #tpu.memory_space<vmem>>, vector<16xf32>,
      %mul3A_336 = arith.mulf %gather3A_333, %get3A_335 : vector<16xf32>
      %add3A_337 = arith.addf %add3A_322, %mul3A_336 : vector<16xf32>
      %get3A_338 = arith.constant 18 : index
      %get3A_339 = tpu.vector_load %arg5[%get3A_338] {strides = array<i32>} : memref<40xf32, #tpu.memory_space<vmem>>, vector<16xf32>,
      %mul3A_340 = arith.mulf %gather3A_333, %get3A_339 : vector<16xf32>
      %add3A_341 = arith.addf %add3A_326, %mul3A_340 : vector<16xf32>
      %mul3A_342 = arith.constant 9 : i32
      %mul3A_343 = vector.broadcast %mul3A_342 : i32 to vector<16xi32>
      %mul3A_344 = arith.muli %convert_element_type3A_236, %mul3A_343 : vector<16xi32>
      %add3A_345 = arith.constant 375 : i32
      %add3A_346 = vector.broadcast %add3A_345 : i32 to vector<16xi32>
      %add3A_347 = arith.addi %mul3A_344, %add3A_346 : vector<16xi32>
      %gather3A_348 = tpu.vector_load_idx %arg4[%add3A_347] : memref<560xf32, #tpu.memory_space<vmem>>[vector<16xi32>], vector<16xf32>,
      %get3A_349 = arith.constant 1 : index
      %get3A_350 = tpu.vector_load %arg5[%get3A_349] {strides = array<i32>} : memref<40xf32, #tpu.memory_space<vmem>>, vector<16xf32>,
      %mul3A_351 = arith.mulf %gather3A_348, %get3A_350 : vector<16xf32>
      %add3A_352 = arith.addf %add3A_337, %mul3A_351 : vector<16xf32>
      %get3A_353 = arith.constant 17 : index
      %get3A_354 = tpu.vector_load %arg5[%get3A_353] {strides = array<i32>} : memref<40xf32, #tpu.memory_space<vmem>>, vector<16xf32>,
      %mul3A_355 = arith.mulf %gather3A_348, %get3A_354 : vector<16xf32>
      %add3A_356 = arith.addf %add3A_341, %mul3A_355 : vector<16xf32>
      %mul3A_357 = arith.constant 9 : i32
      %mul3A_358 = vector.broadcast %mul3A_357 : i32 to vector<16xi32>
      %mul3A_359 = arith.muli %convert_element_type3A_236, %mul3A_358 : vector<16xi32>
      %add3A_360 = arith.constant 376 : i32
      %add3A_361 = vector.broadcast %add3A_360 : i32 to vector<16xi32>
      %add3A_362 = arith.addi %mul3A_359, %add3A_361 : vector<16xi32>
      %gather3A_363 = tpu.vector_load_idx %arg4[%add3A_362] : memref<560xf32, #tpu.memory_space<vmem>>[vector<16xi32>], vector<16xf32>,
      %get3A_364 = arith.constant 0 : index
      %get3A_365 = tpu.vector_load %arg5[%get3A_364] {strides = array<i32>} : memref<40xf32, #tpu.memory_space<vmem>>, vector<16xf32>,
      %mul3A_366 = arith.mulf %gather3A_363, %get3A_365 : vector<16xf32>
      %add3A_367 = arith.addf %add3A_352, %mul3A_366 : vector<16xf32>
      %get3A_368 = arith.constant 16 : index
      %get3A_369 = tpu.vector_load %arg5[%get3A_368] {strides = array<i32>} : memref<40xf32, #tpu.memory_space<vmem>>, vector<16xf32>,
      %mul3A_370 = arith.mulf %gather3A_363, %get3A_369 : vector<16xf32>
      %add3A_371 = arith.addf %add3A_356, %mul3A_370 : vector<16xf32>
      %swap3A_372 = arith.constant 28 : index
      %swap3A_373 = tpu.vector_load %arg6[%swap3A_372] {strides = array<i32>} : memref<64xf32, #tpu.memory_space<vmem>>, vector<16xf32>,
      tpu.vector_store %arg6[%swap3A_372], %add3A_367 {strides = array<i32>} : memref<64xf32, #tpu.memory_space<vmem>>, vector<16xf32>,
      %swap3A_374 = arith.constant 44 : index
      %swap3A_375 = tpu.vector_load %arg6[%swap3A_374] {strides = array<i32>} : memref<64xf32, #tpu.memory_space<vmem>>, vector<16xf32>,
      tpu.vector_store %arg6[%swap3A_374], %add3A_371 {strides = array<i32>} : memref<64xf32, #tpu.memory_space<vmem>>, vector<16xf32>,
      %mul3A_376 = arith.constant 56 : i32
      %mul3A_377 = arith.muli %mul3A_376, %add3A_14 : i32
      "tpu.region"() ({
        %run_scoped3A = tpu.sem_alloc : memref<!tpu.dma_semaphore, #tpu.memory_space<semaphore_mem>>
        %dma_start3A = arith.constant 0 : i32
        %dma_start3A_378 = tpu.memref_slice %arg6[%dma_start3A] : memref<64xf32, #tpu.memory_space<vmem>> -> memref<56xf32, #tpu.memory_space<vmem>>
        %dma_start3A_379 = tpu.memref_slice %arg3[%mul3A_377] : memref<952xf32, #tpu.memory_space<hbm>> -> memref<56xf32, #tpu.memory_space<hbm>>
        %dma_start3A_380 = tpu.memref_slice %arg3[%mul3A_377] : memref<952xf32, #tpu.memory_space<hbm>> -> memref<56xf32, #tpu.memory_space<hbm>>
        %dma_start3A_381 = arith.constant 0 : i32
        %dma_start3A_382 = tpu.memref_slice %arg6[%dma_start3A_381] : memref<64xf32, #tpu.memory_space<vmem>> -> memref<56xf32, #tpu.memory_space<vmem>>
        tpu.enqueue_dma source(%dma_start3A_382 : memref<56xf32, #tpu.memory_space<vmem>>) target(%dma_start3A_380 : memref<56xf32, #tpu.memory_space<hbm>>) target_semaphore(%run_scoped3A : memref<!tpu.dma_semaphore, #tpu.memory_space<semaphore_mem>>)
        %dma_wait3A = arith.constant 0 : i32
        %dma_wait3A_383 = tpu.memref_slice %arg6[%dma_wait3A] : memref<64xf32, #tpu.memory_space<vmem>> -> memref<56xf32, #tpu.memory_space<vmem>>
        %dma_wait3A_384 = tpu.memref_slice %arg3[%mul3A_377] : memref<952xf32, #tpu.memory_space<hbm>> -> memref<56xf32, #tpu.memory_space<hbm>>
        %dma_wait3A_385 = tpu.memref_slice %arg3[%mul3A_377] : memref<952xf32, #tpu.memory_space<hbm>> -> memref<56xf32, #tpu.memory_space<hbm>>
        %dma_wait3A_386 = arith.constant 0 : i32
        %dma_wait3A_387 = tpu.memref_slice %arg6[%dma_wait3A_386] : memref<64xf32, #tpu.memory_space<vmem>> -> memref<56xf32, #tpu.memory_space<vmem>>
        tpu.wait_dma2 semaphore(%run_scoped3A : memref<!tpu.dma_semaphore, #tpu.memory_space<semaphore_mem>>) src(%dma_wait3A_387 : memref<56xf32, #tpu.memory_space<vmem>>) dst(%dma_wait3A_385 : memref<56xf32, #tpu.memory_space<hbm>>)
        tpu.yield
      }) : () -> ()
    }
    return
  }
}

</mosaic_0001>

<sc_bundles>
// kernel: kernel.3.cloned.1.call-start
scs
__scs_entry_jumppad:
0x0: {  	(pc) =	sbr.rel $0x88, $3  }
0x1: {  	(tag) =	ssettag $0x0;
	lr =	simm.s32 $0x1  }
0x2: {  	[smem:$0x3F9E] =	sst lr;
	_ =	strace $0xD0000000  }
0x3: {  	_ = 	snop  }
0x4: {  	_ = 	snop  }
0x5: {  	_ = 	snop  }
0x6: {  	_ = 	snop  }
0x7: {  	_ = 	snop  }
__scs_overlays_trampoline_lowered:
0x8: {  	[smem:$0x3FAD] =	sst s0  }
0x9: {  	[smem:$0x3FAE] =	sst s1  }
0xa: {  	[smem:$0x3FAF] =	sst s2  }
0xb: {  	[smem:$0x3FB0] =	sst s3  }
0xc: {  	[smem:$0x3FB1] =	sst s4  }
0xd: {  	[smem:$0x3FB2] =	sst s5  }
0xe: {  	[smem:$0x3FB3] =	sst s6  }
0xf: {  	[smem:$0x3FB4] =	sst s7  }
0x10: {  	[smem:$0x3FB5] =	sst s8  }
0x11: {  	[smem:$0x3FB6] =	sst s9;
	s0 =	simm.s32 @!p0 $0x0  }
0x12: {  	s1 =	sld [smem:$0x3F9C];
	s0 =	simm.s32 @p0 $0x1  }
0x13: {  	[smem:$0x3FB7] =	sst s0;
	s0 =	simm.s32 @!p1 $0x0  }
0x14: {  	s2 =	sld [smem:$0x3F9B];
	s0 =	simm.s32 @p1 $0x1  }
0x15: {  	[smem:$0x3FB8] =	sst s0;
	s0 =	simm.s32 @!p2 $0x0  }
0x16: {  	s3 =	sld [smem:$0x3FDB];
	s0 =	simm.s32 @p2 $0x1  }
0x17: {  	s4 =	simm.s32 $0x1BF5;
	[smem:$0x3FBA] =	sst s0  }
0x18: {  	s0 =	sld [smem:$0x3F9D];
	_ =	swait.ge [sflag:s4], $0x0  }
0x19: {  	s7 =	sld [smem:$0x3F9E]  }
0x1a: {  	s8 =	sadd.s32 $0xFFFFE003, lr  }
0x1b: {  	s9 =	sadd.s32 $0xFFFFFEF7, lr;
	s5 =	simm.s32 $0xFFFFFFFF;
	p2 =	slt.u32 s8, $0xFFFFF086  }
0x1c: {  	p1 =	slt.u32 s9, $0xF7A;
	s5 =	simm.s32 @!p2 $0x0  }
0x1d: {  	s5 =	simm.s32 @p1 $0x1;
	p0 =	seq.s32 s7, s2  }
0x1e: {  	s7 =	smul.u32 @!p0 $0xF7A, s2;
	p2 =	seq.s32 @!p0 s5, $0x0  }
0x1f: {  	s9 =	smul.u32 $0xF7A, s1;
	s8 =	simm.s32 @!p0 $0x1BF5;
	p2 =	por !p2, p0  }
0x20: {  	[sflag:s8] =	ssyncset.s32 @!p0 $0xFFFFF086;
	s6 =	sadd.s32 @!p0 s3, s7;
	s7 =	simm.s32 @!p0 $0x108  }
0x21: {  	s3 =	sadd.s32 s3, s9;
	s6 =	sadd.s32 @!p0 $0x88, s6;
	s7 =	simm.s32 @p2 $0x1082  }
0x22: {  	[simem:s7], [sflag:s8] =	dma.local @!p0 [hbm:s6], $0xF7A  }
0x23: {  	s9 =	sor.u32 $0xD0000000, s2;
	s6 =	simm.s32 $0x108;
	_ =	swait.ge @!p0 [sflag:s8], $0x0  }
0x24: {  	s3 =	sadd.s32 $0x88, s3;
	s6 =	simm.s32 @!p1 $0x1082;
	[sflag:s4] =	ssyncset.s32 $0xFFFFF086  }
0x25: {  	[simem:s6], [sflag:s4] =	dma.local [hbm:s3], $0xF7A  }
0x26: {  	[smem:$0x3F9E] =	sst s1;
	(tag) =	ssettag s2;
	_ =	strace s9  }
0x27: {  	s1 =	sld [smem:$0x3FAE]  }
0x28: {  	s2 =	sld [smem:$0x3FAF]  }
0x29: {  	s4 =	sld [smem:$0x3FB1]  }
0x2a: {  	p0 =	seq.s32 s5, $0x0;
	s5 =	sld [smem:$0x3FB2]  }
0x2b: {  	s6 =	sld [smem:$0x3FB3]  }
0x2c: {  	s7 =	sld [smem:$0x3FB4]  }
0x2d: {  	s3 =	simm.s32 $0x108;
	s8 =	sld [smem:$0x3FB5]  }
0x2e: {  	s3 =	simm.s32 @!p0 $0x1082;
	s9 =	sld [smem:$0x3FB6]  }
0x2f: {  	lr =	sadd.s32 s0, s3;
	s0 =	sld [smem:$0x3FAD]  }
0x30: {  	s3 =	sld [smem:$0x3FB0]  }
0x31: {  	[smem:$0x3FB9] =	sst s10  }
0x32: {  	s10 =	sld [smem:$0x3FB7];
	_ =	sdelay $0x3  }
0x33: {  	p0 =	seq.s32 s10, $0x1;
	s10 =	sld [smem:$0x3FB9];
	_ =	sdelay $0x3  }
0x34: {  	[smem:$0x3FB9] =	sst s10  }
0x35: {  	s10 =	sld [smem:$0x3FB8];
	_ =	sdelay $0x3  }
0x36: {  	p1 =	seq.s32 s10, $0x1;
	s10 =	sld [smem:$0x3FB9];
	_ =	sdelay $0x3  }
0x37: {  	[smem:$0x3FB9] =	sst s10  }
0x38: {  	s10 =	sld [smem:$0x3FBA]  }
0x39: {  	_ = 	snop;
	(pc) =	sbr.ind lr, $3  }
0x3a: {  	_ = 	snop  }
0x3b: {  	_ = 	snop  }
0x3c: {  	p2 =	seq.s32 s10, $0x1;
	s10 =	sld [smem:$0x3FB9]  }
0x3d: {  	_ =	shalt  }
0x3e: {  	_ =	shalt  }
0x3f: {  	_ =	shalt  }
0x40: {  	_ =	shalt  }
0x41: {  	_ =	shalt  }
0x42: {  	_ =	shalt  }
0x43: {  	_ =	shalt  }
0x44: {  	_ =	shalt  }
0x45: {  	_ =	shalt  }
0x46: {  	_ =	shalt  }
0x47: {  	_ =	shalt  }
0x48: {  	_ =	shalt  }
0x49: {  	_ =	shalt  }
0x4a: {  	_ =	shalt  }
0x4b: {  	_ =	shalt  }
0x4c: {  	_ =	shalt  }
0x4d: {  	_ =	shalt  }
0x4e: {  	_ =	shalt  }
0x4f: {  	_ =	shalt  }
0x50: {  	_ =	shalt  }
0x51: {  	_ =	shalt  }
0x52: {  	_ =	shalt  }
0x53: {  	_ =	shalt  }
0x54: {  	_ =	shalt  }
0x55: {  	_ =	shalt  }
0x56: {  	_ =	shalt  }
0x57: {  	_ =	shalt  }
0x58: {  	_ =	shalt  }
0x59: {  	_ =	shalt  }
0x5a: {  	_ =	shalt  }
0x5b: {  	_ =	shalt  }
0x5c: {  	_ =	shalt  }
0x5d: {  	_ =	shalt  }
0x5e: {  	_ =	shalt  }
0x5f: {  	_ =	shalt  }
0x60: {  	_ =	shalt  }
0x61: {  	_ =	shalt  }
0x62: {  	_ =	shalt  }
0x63: {  	_ =	shalt  }
0x64: {  	_ =	shalt  }
0x65: {  	_ =	shalt  }
0x66: {  	_ =	shalt  }
0x67: {  	_ =	shalt  }
0x68: {  	_ =	shalt  }
0x69: {  	_ =	shalt  }
0x6a: {  	_ =	shalt  }
0x6b: {  	_ =	shalt  }
0x6c: {  	_ =	shalt  }
0x6d: {  	_ =	shalt  }
0x6e: {  	_ =	shalt  }
0x6f: {  	_ =	shalt  }
0x70: {  	_ =	shalt  }
0x71: {  	_ =	shalt  }
0x72: {  	_ =	shalt  }
0x73: {  	_ =	shalt  }
0x74: {  	_ =	shalt  }
0x75: {  	_ =	shalt  }
0x76: {  	_ =	shalt  }
0x77: {  	_ =	shalt  }
0x78: {  	_ =	shalt  }
0x79: {  	_ =	shalt  }
0x7a: {  	_ =	shalt  }
0x7b: {  	_ =	shalt  }
0x7c: {  	_ =	shalt  }
0x7d: {  	_ =	shalt  }
0x7e: {  	_ =	shalt  }
0x7f: {  	_ =	shalt  }
0x80: {  	_ =	shalt  }
0x81: {  	_ =	shalt  }
0x82: {  	_ =	shalt  }
0x83: {  	_ =	shalt  }
0x84: {  	_ =	shalt  }
0x85: {  	_ =	shalt  }
0x86: {  	_ =	shalt  }
0x87: {  	_ =	shalt  }
.Lfunc_end0:
.L_simem_size_0:
called_computation_lowered:
.L_overlay_start_0:
0x88: {  	s0 =	sld [smem:$0x3FD9]  }
0x89: {  	s1 =	sld [smem:$0x3FFE];
	_ =	sdelay $0x3  }
0x8a: {  	s0 =	sadd.s32 s1, s0  }
0x8b: {  	[smem:$0x3FC5] =	sst s0  }
0x8c: {  	_ = 	snop  }
0x8d: {  	s0 =	sld [smem:$0x3FD0];
	(tm) =	ssettm $0x1  }
0x8e: {  	s16 =	sld [smem:$0x3FFB];
	_ =	sdelay $0x3  }
0x8f: {  	_ =	strace s16  }
0x90: {  	s1 =	sld [smem:$0x3FFC];
	_ =	sdelay $0x3  }
0x91: {  	_ =	strace s1  }
0x92: {  	s1 =	sld [smem:$0x3FFD];
	_ =	sdelay $0x3  }
0x93: {  	_ =	strace s1  }
0x94: {  	_ =	strace $0x8FFFFFFF  }
0x95: {  	s17 =	sld [smem:$0x3FDB];
	_ =	sdelay $0x1  }
0x96: {  	s2 =	simm.s32 $_scs_section_size  }
0x97: {  	s3 =	simm.s32 $_size__tile_overlayer_lowered;
	s4 =	simm.s32 $_tile_overlayer_lowered  }
0x98: {  	s20 =	simm.s32 $0x1BFF;
	s19 =	sshll.u32 s4, $0x1;
	s1 =	sadd.s32 s2, s17  }
0x99: {  	s5 =	simm.s32 $0x0;
	s18 =	sshll.u32 s3, $0x1;
	s3 =	sadd.s32 s19, s1  }
0x9a: {  	[timem:s5], [sflag:s20] =	dma.local [hbm:s3], s18  }
0x9b: {  	_ =	swait.ge [sflag:s20], s18  }
0x9c: {  	s2 =	ssub.s32 $0x0, s18;
	[sflag:s20] =	ssyncset.done $0x0  }
0x9d: {  	[sflag:s20] =	ssyncadd.s32 s2;
	_ =	sdelay $0x1  }
0x9e: {  	s21 =	simm.s32 $0x1B8B  }
0x9f: {  	_ =	swait.ge [sflag:s21], $0x1  }
0xa0: {  	[sflag:s21] =	ssyncset.done $0x0  }
0xa1: {  	s23 =	simm.s32 $0x1B8E;
	s22 =	sld [smem:$0x3FFE];
	[sflag:s21] =	ssyncadd.s32 $0xFFFFFFFF  }
0xa2: {  	s24 =	simm.s32 $execute0_lowered;
	[smem:$0x3FD2] =	sst s23  }
0xa3: {  	s3 =	sshll.u32 s24, $0x1;
	_ =	strace $0x80000046;
	[dreg:$0x1] =	wrdreg $0xFFFFFFFF  }
0xa4: {  	s25 =	simm.s32 $_size_execute0_lowered;
	s1 =	sadd.s32 s1, s3;
	[dreg:$0x0] =	wrdreg $0x0  }
0xa5: {  	s3 =	sshll.u32 s25, $0x1;
	[dreg:$0x2] =	wrdreg s1  }
0xa6: {  	[dreg:$0x3] =	wrdreg s3  }
0xa7: {  	[dreg:$0x4] =	wrdreg $0xC0  }
0xa8: {  	_ =	task [dreg:s5], $0x5FFFF  }
0xa9: {  	[dreg:$0x1] =	wrdreg $0xFFFFFFFF  }
0xaa: {  	[dreg:$0x0] =	wrdreg $0x60  }
0xab: {  	[dreg:$0x2] =	wrdreg s0  }
0xac: {  	[dreg:$0x3] =	wrdreg s22  }
0xad: {  	[dreg:$0x4] =	wrdreg $0x9  }
0xae: {  	_ =	task.clear_ibuf [dreg:s5], $0x5FFFF;
	_ =	strace $0x90000046  }
0xaf: {  	s26 =	simm.s32 $0x9;
	_ =	strace $0x80000048  }
0xb0: {  	_ =	swait.ge [sflag:s26], $0x1  }
0xb1: {  	[sflag:s26] =	ssyncadd.s32 $0xFFFFFFFF  }
0xb2: {  	_ =	strace $0x90000048  }
0xb3: {  	_ =	sfence  }
0xb4: {  	s28 =	sld [smem:$0x0];
	_ =	sdelay $0x1  }
0xb5: {  	s29 =	srdreg.scid  }
0xb6: {  	s30 =	sshll.u32 s29, $0xD;
	s31 =	sshrl.u32 s29, $0x2  }
0xb7: {  	s2 =	sand.u32 $0x4000, s30;
	s1 =	sand.u32 $0x1, s29;
	s0 =	sadd.s32 s31, s28  }
0xb8: {  	s1 =	sor.u32 s2, s1;
	s0 =	sshll.u32 s0, $0x11  }
0xb9: {  	s0 =	sor.u32 s0, s1  }
0xba: {  	s0 =	sadd.s32 $0x8F2B, s0  }
0xbb: {  	[sflag:s0] =	ssyncadd.remote.s32 $0x1  }
0xbc: {  	_ =	sfence.sel $0xFFFF  }
0xbd: {  	[dreg:$0x0] =	wrdreg $0xFFFFFFFF;
	(pc) =	sbr.abs _section_cstart, $3  }
0xbe: {  	[dreg:$0x1] =	wrdreg $0xFFFFFFFF  }
0xbf: {  	_ =	task.clear_ibuf [dreg:s5], $0x2FFFF;
	_ =	strace $0x9FFFFFFF  }
0xc0: {  	(tm) =	ssettm $0x7FFFFFFF  }
0xc1: {  	_ =	shalt  }
tec
execute0_lowered:
.L_overlay_start_1:
0x0: {  	(tag) =	ssettag $0x1  }
0x1: {  	s1 =	rddreg [dreg:$0x0]  }
0x2: {  	s3 =	rddreg [dreg:$0x1];
	s2 =	simm.s32 $0x0  }
0x3: {  	[smem:$0x7FF] =	sst s2  }
0x4: {  	s0 =	rddreg [dreg:$0x2];
	_ =	strace $0x80000047  }
0x5: {  	[tilespmem:s2], [sflag:$0x1] =	stream.linear.gather [hbm4b:s1+s2], $0x280, $0x38;
	[tilespmem:$0x380] =	vst v63  }
0x6: {  	s4 =	simm.s32 $0x1;
	s10 =	simm.s32 $0x300;
	s1 =	stileid.u32  }
0x7: {  	s11 =	simm.s32 $0x2;
	s5 =	smul.u32 $0x7, s1;
	_ =	swait.ge [sflag:s4], $0x280  }
0x8: {  	s12 =	simm.s32 $0x0;
	s6 =	smul.u32 $0xA0, s1;
	[sflag:s4] =	ssyncset.done $0x0  }
0x9: {  	s7 =	sshllo.u32 s1, $0x1;
	s5 =	sadd.s32 s5, s3;
	[sflag:s4] =	ssyncadd.s32 $0xFFFFFD80  }
0xa: {  	s3 =	sshll.u32 s1, $0x1;
	s4 =	sadd.s32 $0x800, s5;
	s5 =	sshrl.u32 s6, $0x2  }
0xb: {  	vm0 =	vmmov $0xf;
	v0 =	vimm.f32 $0.0e+00;
	s6 =	sor.u32 $0x141, s3;
	s8 =	sadd.s32 $0x7, s3;
	s9 =	sadd.s32 $0x8, s3  }
.LBB2_1:
0xc: {  	s13 =	smulhi.u32 $0x88888889, s3  }
0xd: {  	s14 =	smulhi.u32 $0x88888889, s8  }
0xe: {  	s13 =	sshrl.u32 s13, $0x3  }
0xf: {  	s14 =	sshrl.u32 s14, $0x3;
	s13 =	smul.u32 $0x4B0, s13  }
0x10: {  	s14 =	smul.u32 $0x4B0, s14  }
0x11: {  	s13 =	ssub.s32 $0x40, s13  }
0x12: {  	s14 =	ssub.s32 $0x270, s14;
	s13 =	sshra.s32 s13, $0x2  }
0x13: {  	s14 =	sshra.s32 s14, $0x2;
	s13 =	sadd.s32 s13, s5  }
0x14: {  	s14 =	sadd.s32 s14, s5;
	v1 =	vld [tilespmem:s13+$0xFFFFFFF0]  }
0x15: {  	v2 =	vld [tilespmem:s14+$0xFFFFFFF0]  }
0x16: {  	v3 =	vld [tilespmem:s13+$0x0]  }
0x17: {  	s28 =	sadd.s32 $0xFFFFFFFF, s6;
	v4 =	vld [tilespmem:s14+$0x0]  }
0x18: {  	v5 =	vmov s28  }
0x19: {  	v5 =	vand.u32 $0xFFFFFFFE, v5  }
0x1a: {  	v5 =	vbroadcast v5, $0x0;
	_ =	sdelay $0x1  }
0x1b: {  	v1 =	vadd.f32 v2, v1;
	v2 =	vadd.f32 v4, v3  }
0x1c: {  	[tilespmem:$0x280] =	vst v0  }
0x1d: {  	v2 =	vnsel vm0, $0x0, v2;
	[tilespmem:$0x288] =	vst v1  }
0x1e: {  	[tilespmem:$0x298] =	vst v2  }
0x1f: {  	v3 =	vld.idx.msk [tilespmem:v5+s2+$0x0], $0xffff;
	_ =	sdelay $0x4  }
0x20: {  	v3 =	vtrunc.f32 v3  }
0x21: {  	v3 =	vcvt.f32.s32 v3;
	_ =	sdelay $0x1  }
0x22: {  	v7 =	vld [tilespmem:$0x287];
	v3 =	vmul.u32 $0x9, v3  }
0x23: {  	v10 =	vld [tilespmem:$0x286]  }
0x24: {  	v13 =	vld [tilespmem:$0x285];
	v50 =	vadd.s32 $0x170, v3  }
0x25: {  	v16 =	vld [tilespmem:$0x284]  }
0x26: {  	v53 =	vld [tilespmem:$0x283];
	v51 =	vadd.s32 $0x171, v3  }
0x27: {  	v58 =	vld [tilespmem:$0x282]  }
0x28: {  	v20 =	vld [tilespmem:$0x280];
	v6 =	vadd.s32 $0x172, v3  }
0x29: {  	v4 =	vld.idx.msk [tilespmem:v50+s2+$0x0], $0xffff  }
0x2a: {  	v9 =	vld [tilespmem:$0x297];
	v8 =	vadd.s32 $0x173, v3  }
0x2b: {  	v5 =	vld.idx.msk [tilespmem:v51+s2+$0x0], $0xffff  }
0x2c: {  	v12 =	vld [tilespmem:$0x296];
	v11 =	vadd.s32 $0x174, v3  }
0x2d: {  	v6 =	vld.idx.msk [tilespmem:v6+s2+$0x0], $0xffff  }
0x2e: {  	v15 =	vld [tilespmem:$0x295];
	v14 =	vadd.s32 $0x175, v3;
	v1 =	vmul.f32 v4, v1  }
0x2f: {  	v8 =	vld.idx.msk [tilespmem:v8+s2+$0x0], $0xffff;
	v2 =	vmul.f32 v4, v2  }
0x30: {  	v18 =	vld [tilespmem:$0x294];
	v17 =	vadd.s32 $0x176, v3;
	v7 =	vmul.f32 v7, v5;
	v1 =	vadd.f32 $0.0e+00, v1  }
0x31: {  	v19 =	vadd.s32 $0x177, v3;
	v11 =	vld.idx.msk [tilespmem:v11+s2+$0x0], $0xffff;
	v5 =	vmul.f32 v9, v5;
	v2 =	vadd.f32 $0.0e+00, v2  }
0x32: {  	v54 =	vld [tilespmem:$0x293];
	v55 =	vmul.f32 v10, v6;
	v1 =	vadd.f32 v7, v1  }
0x33: {  	v52 =	vld.idx.msk [tilespmem:v14+s2+$0x0], $0xffff;
	v57 =	vmul.f32 v12, v6;
	v2 =	vadd.f32 v5, v2  }
0x34: {  	v60 =	vld [tilespmem:$0x292];
	v3 =	vadd.s32 $0x178, v3;
	v59 =	vmul.f32 v13, v8;
	v1 =	vadd.f32 v55, v1  }
0x35: {  	v56 =	vld.idx.msk [tilespmem:v17+s2+$0x0], $0xffff;
	v61 =	vmul.f32 v15, v8;
	v2 =	vadd.f32 v57, v2  }
0x36: {  	v62 =	vld.idx.msk [tilespmem:v19+s2+$0x0], $0xffff;
	v63 =	vmul.f32 v16, v11;
	v1 =	vadd.f32 v59, v1  }
0x37: {  	v16 =	vld [tilespmem:$0x281];
	v17 =	vmul.f32 v18, v11;
	v2 =	vadd.f32 v61, v2  }
0x38: {  	v18 =	vld [tilespmem:$0x291];
	v19 =	vmul.f32 v53, v52;
	v1 =	vadd.f32 v63, v1  }
0x39: {  	v3 =	vld.idx.msk [tilespmem:v3+s2+$0x0], $0xffff;
	v4 =	vmul.f32 v54, v52;
	v2 =	vadd.f32 v17, v2  }
0x3a: {  	v21 =	vld [tilespmem:$0x290];
	v6 =	vmul.f32 v58, v56;
	v1 =	vadd.f32 v19, v1  }
0x3b: {  	v22 =	vmul.f32 v60, v56;
	v2 =	vadd.f32 v4, v2  }
0x3c: {  	s29 =	smulhi.u32 $0x88888889, s7;
	v23 =	vmul.f32 v16, v62;
	v1 =	vadd.f32 v6, v1  }
0x3d: {  	s30 =	smulhi.u32 $0x88888889, s9;
	v24 =	vmul.f32 v18, v62;
	v2 =	vadd.f32 v22, v2  }
0x3e: {  	s13 =	sshrl.u32 s29, $0x3;
	v5 =	vmul.f32 v20, v3;
	v1 =	vadd.f32 v23, v1  }
0x3f: {  	s14 =	sshrl.u32 s30, $0x3;
	s13 =	smul.u32 $0x4B0, s13;
	v3 =	vmul.f32 v21, v3;
	v2 =	vadd.f32 v24, v2  }
0x40: {  	s14 =	smul.u32 $0x4B0, s14;
	v1 =	vadd.f32 v5, v1  }
0x41: {  	s13 =	ssub.s32 $0x50, s13;
	v2 =	vadd.f32 v3, v2  }
0x42: {  	s14 =	ssub.s32 $0x280, s14;
	s13 =	sshra.s32 s13, $0x2;
	[tilespmem:$0x300] =	vst v1  }
0x43: {  	s14 =	sshra.s32 s14, $0x2;
	s13 =	sadd.s32 s13, s5;
	[tilespmem:$0x310] =	vst v2  }
0x44: {  	s14 =	sadd.s32 s14, s5;
	v1 =	vld [tilespmem:s13+$0x0]  }
0x45: {  	v2 =	vld [tilespmem:s14+$0x0]  }
0x46: {  	v3 =	vld [tilespmem:s13+$0x10]  }
0x47: {  	v25 =	vld [tilespmem:s14+$0x10];
	_ =	sdelay $0x3  }
0x48: {  	v26 =	vmov s6  }
0x49: {  	v1 =	vadd.f32 v2, v1;
	v2 =	vadd.f32 v25, v3  }
0x4a: {  	[tilespmem:$0x280] =	vst v0  }
0x4b: {  	v2 =	vnsel vm0, $0x0, v2;
	[tilespmem:$0x288] =	vst v1  }
0x4c: {  	[tilespmem:$0x298] =	vst v2  }
0x4d: {  	v3 =	vld.idx.msk [tilespmem:v26+s2+$0x0], $0xffff;
	_ =	sdelay $0x4  }
0x4e: {  	v3 =	vtrunc.f32 v3  }
0x4f: {  	v3 =	vcvt.f32.s32 v3;
	_ =	sdelay $0x1  }
0x50: {  	v30 =	vld [tilespmem:$0x287];
	v3 =	vmul.u32 $0x9, v3  }
0x51: {  	v33 =	vld [tilespmem:$0x286]  }
0x52: {  	v36 =	vld [tilespmem:$0x285];
	v27 =	vadd.s32 $0x170, v3  }
0x53: {  	v39 =	vld [tilespmem:$0x284]  }
0x54: {  	v43 =	vld [tilespmem:$0x283];
	v28 =	vadd.s32 $0x171, v3  }
0x55: {  	v49 =	vld [tilespmem:$0x282]  }
0x56: {  	v55 =	vld [tilespmem:$0x281];
	v29 =	vadd.s32 $0x172, v3  }
0x57: {  	v4 =	vld.idx.msk [tilespmem:v27+s2+$0x0], $0xffff  }
0x58: {  	v59 =	vld [tilespmem:$0x280];
	v31 =	vadd.s32 $0x173, v3  }
0x59: {  	v5 =	vld.idx.msk [tilespmem:v28+s2+$0x0], $0xffff  }
0x5a: {  	v32 =	vld [tilespmem:$0x297];
	v34 =	vadd.s32 $0x174, v3  }
0x5b: {  	v6 =	vld.idx.msk [tilespmem:v29+s2+$0x0], $0xffff  }
0x5c: {  	v35 =	vld [tilespmem:$0x296];
	v37 =	vadd.s32 $0x175, v3;
	v1 =	vmul.f32 v4, v1  }
0x5d: {  	v8 =	vld.idx.msk [tilespmem:v31+s2+$0x0], $0xffff;
	v2 =	vmul.f32 v4, v2  }
0x5e: {  	v38 =	vld [tilespmem:$0x295];
	v40 =	vadd.s32 $0x176, v3;
	v7 =	vmul.f32 v30, v5;
	v1 =	vadd.f32 $0.0e+00, v1  }
0x5f: {  	v11 =	vld.idx.msk [tilespmem:v34+s2+$0x0], $0xffff;
	v5 =	vmul.f32 v32, v5;
	v2 =	vadd.f32 $0.0e+00, v2  }
0x60: {  	v41 =	vld [tilespmem:$0x294];
	v44 =	vadd.s32 $0x177, v3;
	v46 =	vmul.f32 v33, v6;
	v1 =	vadd.f32 v7, v1  }
0x61: {  	v42 =	vld.idx.msk [tilespmem:v37+s2+$0x0], $0xffff;
	v48 =	vmul.f32 v35, v6;
	v2 =	vadd.f32 v5, v2  }
0x62: {  	v45 =	vld [tilespmem:$0x293];
	v3 =	vadd.s32 $0x178, v3;
	v50 =	vmul.f32 v36, v8;
	v1 =	vadd.f32 v46, v1  }
0x63: {  	v47 =	vld.idx.msk [tilespmem:v40+s2+$0x0], $0xffff;
	v52 =	vmul.f32 v38, v8;
	v2 =	vadd.f32 v48, v2  }
0x64: {  	v51 =	vld [tilespmem:$0x292];
	v54 =	vmul.f32 v39, v11;
	v1 =	vadd.f32 v50, v1  }
0x65: {  	v53 =	vld.idx.msk [tilespmem:v44+s2+$0x0], $0xffff;
	v56 =	vmul.f32 v41, v11;
	v2 =	vadd.f32 v52, v2  }
0x66: {  	v57 =	vld [tilespmem:$0x291];
	v58 =	vmul.f32 v43, v42;
	v1 =	vadd.f32 v54, v1  }
0x67: {  	v3 =	vld.idx.msk [tilespmem:v3+s2+$0x0], $0xffff;
	v4 =	vmul.f32 v45, v42;
	v2 =	vadd.f32 v56, v2  }
0x68: {  	v60 =	vld [tilespmem:$0x290];
	v6 =	vmul.f32 v49, v47;
	v1 =	vadd.f32 v58, v1  }
0x69: {  	v61 =	vmul.f32 v51, v47;
	v2 =	vadd.f32 v4, v2  }
0x6a: {  	v62 =	vmul.f32 v55, v53;
	v1 =	vadd.f32 v6, v1  }
0x6b: {  	v63 =	vmul.f32 v57, v53;
	v2 =	vadd.f32 v61, v2  }
0x6c: {  	v5 =	vmul.f32 v59, v3;
	v1 =	vadd.f32 v62, v1  }
0x6d: {  	v3 =	vmul.f32 v60, v3;
	v2 =	vadd.f32 v63, v2  }
0x6e: {  	v1 =	vadd.f32 v5, v1  }
0x6f: {  	s31 =	sor.u32 s12, s1;
	v2 =	vadd.f32 v3, v2  }
0x70: {  	p0 =	seq.s32 s31, $0x0;
	[tilespmem:$0x31C] =	vst v1  }
.Ltmp0:
0x71: {  	s12 =	sadd.s32 $0x1, s12;
	s3 =	sadd.s32 $0x20, s3;
	[tilespmem:$0x32C] =	vst v2;
	(pc) =	sbr.rel @p0 .LBB2_1-.Ltmp0, $4  }
0x72: {  	[hbm4b:s4+s2] =	stream.linear.scatter [tilespmem:s10], [sflag:$0x2], $0x38, $0x38;
	[tilespmem:$0x380] =	vst v63  }
0x73: {  	s6 =	sadd.s32 $0x20, s6;
	s7 =	sadd.s32 $0x20, s7;
	_ =	swait.ge [sflag:s11], $0x38  }
0x74: {  	s8 =	sadd.s32 $0x20, s8;
	s9 =	sadd.s32 $0x20, s9;
	[sflag:s11] =	ssyncset.done $0x0  }
0x75: {  	s5 =	sadd.s32 $0x280, s5;
	s4 =	sadd.s32 $0x70, s4;
	[sflag:s11] =	ssyncadd.s32 $0xFFFFFFC8  }
0x76: {  	_ =	sfence.sel $0x180000  }
0x77: {  	[bflag:$0x0] =	sbarrier.arrive $0xFFFF  }
0x78: {  	p0 =	sne.s32 s1, $0x0;
	_ =	strace $0x90000047  }
0x79: {  	s0 =	sadd.s32 @!p0 $0x100000, s0;
	[bflag:$0x2] =	sbarrier.arrive $0xFFFF  }
0x7a: {  	[sflag:s0] =	ssyncadd.tile.s32 @!p0 $0x1;
	_ =	shalt  }
.Lfunc_end2:
_tile_overlayer_lowered:
.L_overlay_start_2:
0x7b: {  	(tag) =	ssettag $0x2  }
0x7c: {  	s0 =	rddreg [dreg:$0x0];
	s2 =	stileid.u32  }
0x7d: {  	s1 =	rddreg [dreg:$0x1];
	p0 =	sne.s32 s2, $0x0  }
0x7e: {  	s3 =	rddreg [dreg:$0x2];
	[bflag:$0x3] =	sbarrier.arrive $0xFFFF;
	s2 =	simm.s32 @!p0 $0x1C02  }
0x7f: {  	[timem:s3], [sflag:s2] =	dma.local @!p0 [hbm:s0], s1  }
0x80: {  	s0 =	simm.s32 @!p0 $0x2  }
0x81: {  	_ =	swait.ge @!p0 [sflag:s0], s1  }
0x82: {  	s1 =	ssub.s32 @!p0 $0x0, s1;
	[sflag:s0] =	ssyncset.done @!p0 $0x0  }
0x83: {  	[sflag:s0] =	ssyncadd.s32 @!p0 s1  }
0x84: {  	[bflag:$0x3] =	sbarrier.arrive $0xFFFF  }
0x85: {  	_ =	shalt  }

</sc_bundles>
